<compile_context>
chip_gen: v7x
topology: tpu7x:2x2x1
jax: 0.10.2.dev20260603
libtpu: 0.0.44.dev20260713+nightly
codegen_flags: <defaults>
</compile_context>

<pallas_src>
import functools

import jax
import jax.numpy as jnp
from jax import lax
from jax.experimental import pallas as pl
from jax.experimental.pallas import tpu as pltpu
from jax.experimental.pallas import tpu_sc as plsc

HIDDEN = 2048
N_IDX = 4096
N_ROWS = 16384

_INFO = plsc.get_sparse_core_info()
_NC = _INFO.num_cores
_NS = _INFO.num_subcores
_NW = _NC * _NS
_JPW = N_IDX // _NW
_CH = 16
_NCH = _JPW // _CH
_NBUF = 3
_LANES = 16


def _sc_body(img_hbm, idx_hbm, out_ref, idx_v, m_v, tgt_v, src_v,
             rows0, rows1, sem_g, sem_s):
    bufs = (rows0, rows1)
    wid = lax.axis_index("s") * _NC + lax.axis_index("c")
    base = wid * _JPW

    pltpu.sync_copy(idx_hbm, idx_v)

    lane = lax.iota(jnp.int32, _LANES)

    @pl.loop(0, N_IDX // _LANES, unroll=2)
    def _(k):
        off = k * _LANES
        tv = idx_v[pl.ds(off, _LANES)]
        key = tv * _LANES + lane
        skey = plsc.sort_key_val(key, key)[0]
        sidx = lax.shift_right_logical(skey, 4)
        sj = off + lax.rem(skey, _LANES)
        c = sj - sidx * (N_IDX * 2)
        win = jnp.flip(plsc.cummax(jnp.flip(c))) + sidx * (N_IDX * 2)
        plsc.store_scatter(m_v, [sidx], win)

    for c in range(_NCH):
        for l in range(_CH // _LANES):
            off = base + c * _CH + l * _LANES
            tv = idx_v[pl.ds(off, _LANES)]
            sv = plsc.load_gather(m_v, [tv])
            tgt_v[c, pl.ds(l * _LANES, _LANES)] = tv
            src_v[c, pl.ds(l * _LANES, _LANES)] = sv

    def gather(c):
        return pltpu.async_copy(
            img_hbm.at[src_v.at[c]], bufs[c % 2], sem_g)

    def scatter(c):
        return pltpu.async_copy(
            bufs[c % 2], out_ref.at[tgt_v.at[c]], sem_s)

    g = gather(0)
    for c in range(_NCH):
        g.wait()
        s = scatter(c)
        if c + 1 < _NCH:
            g = gather(c + 1)
        s.wait()


_sc_scatter = functools.partial(
    pl.kernel,
    mesh=plsc.VectorSubcoreMesh(core_axis_name="c", subcore_axis_name="s"),
    compiler_params=pltpu.CompilerParams(needs_layout_passes=False),
    scratch_types=[
        pltpu.VMEM((N_IDX,), jnp.int32),
        pltpu.VMEM((N_ROWS,), jnp.int32),
        pltpu.VMEM((_NCH, _CH), jnp.int32),
        pltpu.VMEM((_NCH, _CH), jnp.int32),
        pltpu.VMEM((_CH, HIDDEN), jnp.float32),
        pltpu.VMEM((_CH, HIDDEN), jnp.float32),
        pltpu.SemaphoreType.DMA,
        pltpu.SemaphoreType.DMA,
    ],
)(_sc_body)


def kernel(image_embeddings, text_embeddings, vision_indices):
    flat = text_embeddings.reshape(-1, HIDDEN)
    img = image_embeddings.reshape(-1, HIDDEN)[:N_IDX]
    img = img.astype(text_embeddings.dtype)
    out_ref = jax.new_ref(flat)
    _sc_scatter(img, vision_indices.astype(jnp.int32), out_ref)
    return out_ref[...].reshape(text_embeddings.shape)

# --- scband reference (transcript-rebuilt; emitter-appended) ---
"""Pipeline reference for scband-smol-vlm2-interleave-embeddings-60773787238431 (READ-ONLY COPY).

The authoritative reference and input builder live on the scoring server;
editing this copy changes nothing except your own understanding.
"""

import jax, jax.numpy as jnp
import numpy as np

HIDDEN_DIM = 2048

def setup_inputs(seed: int = 0) -> dict:
    key = jax.random.key(seed)
    k1, k2, k3 = jax.random.split(key, 3)
    image_embeddings = jax.random.normal(k1, (4, 1024, HIDDEN_DIM), dtype=jnp.float32)
    text_embeddings = jax.random.normal(k2, (4, 4096, HIDDEN_DIM), dtype=jnp.float32)
    vision_indices = jax.random.randint(k3, (4096,), 0, 16384, dtype=jnp.int32)
    return {
        "image_embeddings": image_embeddings,
        "text_embeddings": text_embeddings,
        "vision_indices": vision_indices,
    }

def reference(image_embeddings, text_embeddings, vision_indices):
    batch_size = text_embeddings.shape[0]
    seq_len = text_embeddings.shape[1]
    # flatten batched vision embeddings
    if image_embeddings.ndim == 3:
        image_embeddings = image_embeddings.reshape(-1, HIDDEN_DIM)
    if vision_indices.ndim == 2:
        vision_indices = vision_indices.reshape(-1)
    num_indices = vision_indices.shape[0]
    image_embeddings = image_embeddings[:num_indices]
    image_embeddings = image_embeddings.astype(text_embeddings.dtype)
    flat_text = text_embeddings.reshape(-1, HIDDEN_DIM)
    vision_indices = vision_indices.astype(jnp.int32)
    # scatter-overwrite: replace rows of flat_text at vision_indices
    flat_out = flat_text.at[vision_indices].set(image_embeddings)
    return flat_out.reshape(batch_size, seq_len, HIDDEN_DIM)

if __name__ == "__main__":
    import jax
    _d = setup_inputs()
    print(jax.jit(kernel)(*tuple(_d.values())))

</pallas_src>

<mosaic_0001>
#map = affine_map<(d0, d1) -> (0, 0)>
#map1 = affine_map<(d0, d1) -> (0)>
module attributes {stable_mosaic.version = 14 : i64} {
  func.func @new_body(%arg0: i32, %arg1: i32, %arg2: memref<4096x2048xf32, #tpu.memory_space<hbm>>, %arg3: memref<4096xi32, #tpu.memory_space<hbm>>, %arg4: memref<16384x2048xf32, #tpu.memory_space<hbm>>, %arg5: memref<16384x2048xf32, #tpu.memory_space<hbm>>, %arg6: memref<4096xi32, #tpu.memory_space<vmem>>, %arg7: memref<16384xi32, #tpu.memory_space<vmem>>, %arg8: memref<8x16xi32, #tpu.memory_space<vmem>>, %arg9: memref<8x16xi32, #tpu.memory_space<vmem>>, %arg10: memref<16x2048xf32, #tpu.memory_space<vmem>>, %arg11: memref<16x2048xf32, #tpu.memory_space<vmem>>, %arg12: memref<!tpu.dma_semaphore, #tpu.memory_space<semaphore_mem>>, %arg13: memref<!tpu.dma_semaphore, #tpu.memory_space<semaphore_mem>>) attributes {dimension_semantics = [#tpu.dimension_semantics<core_parallel>, #tpu.dimension_semantics<subcore_parallel>], iteration_bounds = array<i64: 2, 16>, scalar_prefetch = 0 : i64, scratch_operands = 8 : i64, tpu.core_type = #tpu.core_type<sc_vector_subcore>, window_params = [{transform_indices = #map}, {transform_indices = #map1}, {transform_indices = #map}, {transform_indices = #map}]} {
    %mul3A = arith.constant 2 : i32
    %mul3A_0 = arith.muli %arg1, %mul3A : i32
    %add3A = arith.addi %mul3A_0, %arg0 : i32
    %mul3A_1 = arith.constant 128 : i32
    %mul3A_2 = arith.muli %add3A, %mul3A_1 : i32
    "tpu.region"() ({
      %run_scoped3A = tpu.sem_alloc : memref<!tpu.dma_semaphore, #tpu.memory_space<semaphore_mem>>
      tpu.enqueue_dma source(%arg3 : memref<4096xi32, #tpu.memory_space<hbm>>) target(%arg6 : memref<4096xi32, #tpu.memory_space<vmem>>) target_semaphore(%run_scoped3A : memref<!tpu.dma_semaphore, #tpu.memory_space<semaphore_mem>>)
      tpu.wait_dma2 semaphore(%run_scoped3A : memref<!tpu.dma_semaphore, #tpu.memory_space<semaphore_mem>>) src(%arg3 : memref<4096xi32, #tpu.memory_space<hbm>>) dst(%arg6 : memref<4096xi32, #tpu.memory_space<vmem>>)
      tpu.yield
    }) : () -> ()
    %iota3A = tpu.iota {dimensions = array<i32: 0>} : vector<16xi32>
    %scan3A = arith.constant 0 : i32
    %scan3A_3 = arith.constant 256 : i32
    %scan3A_4 = arith.addi %scan3A, %scan3A_3 : i32
    %scan3A_5 = arith.constant 2 : i32
    scf.for %scan3A_346 = %scan3A to %scan3A_4 step %scan3A_5  : i32 {
      %mul3A_347 = arith.constant 1 : i32
      %mul3A_348 = arith.muli %scan3A_346, %mul3A_347 : i32
      %add3A_349 = arith.constant 0 : i32
      %add3A_350 = arith.addi %add3A_349, %mul3A_348 : i32
      %mul3A_351 = arith.constant 16 : i32
      %mul3A_352 = arith.muli %add3A_350, %mul3A_351 : i32
      %get3A_353 = arith.index_cast %mul3A_352 : i32 to index
      %get3A_354 = tpu.vector_load %arg6[%get3A_353] {strides = array<i32>} : memref<4096xi32, #tpu.memory_space<vmem>>, vector<16xi32>,
      %mul3A_355 = arith.constant 16 : i32
      %mul3A_356 = vector.broadcast %mul3A_355 : i32 to vector<16xi32>
      %mul3A_357 = arith.muli %get3A_354, %mul3A_356 : vector<16xi32>
      %add3A_358 = arith.addi %mul3A_357, %iota3A : vector<16xi32>
      %masked_sort3A = arith.constant dense<true> : vector<16xi1>
      %masked_sort3A_359 = arith.constant -2147483648 : i32
      %masked_sort3A_360 = vector.broadcast %masked_sort3A_359 : i32 to vector<16xi32>
      %masked_sort3A_361 = arith.xori %add3A_358, %masked_sort3A_360 : vector<16xi32>
      %masked_sort3A_362, %masked_sort3A_363, %masked_sort3A_364 = tpu.sort %masked_sort3A_361, %add3A_358 masked %masked_sort3A : (vector<16xi32>, vector<16xi32>, vector<16xi1>) -> (vector<16xi1>, vector<16xi32>, vector<16xi32>)
      %masked_sort3A_365 = arith.xori %masked_sort3A_363, %masked_sort3A_360 : vector<16xi32>
      %shift_right_logical3A = arith.constant 4 : i32
      %shift_right_logical3A_366 = vector.broadcast %shift_right_logical3A : i32 to vector<16xi32>
      %shift_right_logical3A_367 = arith.shrui %masked_sort3A_365, %shift_right_logical3A_366 : vector<16xi32>
      %rem3A = arith.constant 16 : i32
      %rem3A_368 = vector.broadcast %rem3A : i32 to vector<16xi32>
      %rem3A_369 = arith.remsi %masked_sort3A_365, %rem3A_368 : vector<16xi32>
      %add3A_370 = vector.broadcast %mul3A_352 : i32 to vector<16xi32>
      %add3A_371 = arith.addi %add3A_370, %rem3A_369 : vector<16xi32>
      %mul3A_372 = arith.constant 8192 : i32
      %mul3A_373 = vector.broadcast %mul3A_372 : i32 to vector<16xi32>
      %mul3A_374 = arith.muli %shift_right_logical3A_367, %mul3A_373 : vector<16xi32>
      %sub3A = arith.subi %add3A_371, %mul3A_374 : vector<16xi32>
      %rev3A = arith.constant 15 : i32
      %rev3A_375 = vector.broadcast %rev3A : i32 to vector<16xi32>
      %rev3A_376 = tpu.iota {dimensions = array<i32: 0>} : vector<16xi32>
      %rev3A_377 = arith.subi %rev3A_375, %rev3A_376 : vector<16xi32>
      %rev3A_378 = tpu.dynamic_gather %sub3A[%rev3A_377] in [0] : vector<16xi32>, vector<16xi32> -> vector<16xi32>
      %broadcast_in_dim3A = arith.constant true
      %broadcast_in_dim3A_379 = vector.broadcast %broadcast_in_dim3A : i1 to vector<16xi1>
      %masked_cummax3A = arith.constant -2147483648 : i32
      %masked_cummax3A_380 = vector.broadcast %masked_cummax3A : i32 to vector<16xi32>
      %masked_cummax3A_381 = arith.xori %rev3A_378, %masked_cummax3A_380 : vector<16xi32>
      %masked_cummax3A_382 = tpu.scan <max>, %masked_cummax3A_381 masked %broadcast_in_dim3A_379 : vector<16xi32>, vector<16xi1> -> vector<16xi32>
      %masked_cummax3A_383 = arith.xori %masked_cummax3A_382, %masked_cummax3A_380 : vector<16xi32>
      %rev3A_384 = arith.constant 15 : i32
      %rev3A_385 = vector.broadcast %rev3A_384 : i32 to vector<16xi32>
      %rev3A_386 = tpu.iota {dimensions = array<i32: 0>} : vector<16xi32>
      %rev3A_387 = arith.subi %rev3A_385, %rev3A_386 : vector<16xi32>
      %rev3A_388 = tpu.dynamic_gather %masked_cummax3A_383[%rev3A_387] in [0] : vector<16xi32>, vector<16xi32> -> vector<16xi32>
      %mul3A_389 = arith.constant 8192 : i32
      %mul3A_390 = vector.broadcast %mul3A_389 : i32 to vector<16xi32>
      %mul3A_391 = arith.muli %shift_right_logical3A_367, %mul3A_390 : vector<16xi32>
      %add3A_392 = arith.addi %rev3A_388, %mul3A_391 : vector<16xi32>
      tpu.vector_store_idx %arg7[%shift_right_logical3A_367], %add3A_392 : memref<16384xi32, #tpu.memory_space<vmem>>[vector<16xi32>], vector<16xi32>,
      %scan3A_393 = arith.constant 1 : i32
      %scan3A_394 = arith.addi %scan3A_346, %scan3A_393 : i32
      %mul3A_395 = arith.constant 1 : i32
      %mul3A_396 = arith.muli %scan3A_394, %mul3A_395 : i32
      %add3A_397 = arith.constant 0 : i32
      %add3A_398 = arith.addi %add3A_397, %mul3A_396 : i32
      %mul3A_399 = arith.constant 16 : i32
      %mul3A_400 = arith.muli %add3A_398, %mul3A_399 : i32
      %get3A_401 = arith.index_cast %mul3A_400 : i32 to index
      %get3A_402 = tpu.vector_load %arg6[%get3A_401] {strides = array<i32>} : memref<4096xi32, #tpu.memory_space<vmem>>, vector<16xi32>,
      %mul3A_403 = arith.constant 16 : i32
      %mul3A_404 = vector.broadcast %mul3A_403 : i32 to vector<16xi32>
      %mul3A_405 = arith.muli %get3A_402, %mul3A_404 : vector<16xi32>
      %add3A_406 = arith.addi %mul3A_405, %iota3A : vector<16xi32>
      %masked_sort3A_407 = arith.constant dense<true> : vector<16xi1>
      %masked_sort3A_408 = arith.constant -2147483648 : i32
      %masked_sort3A_409 = vector.broadcast %masked_sort3A_408 : i32 to vector<16xi32>
      %masked_sort3A_410 = arith.xori %add3A_406, %masked_sort3A_409 : vector<16xi32>
      %masked_sort3A_411, %masked_sort3A_412, %masked_sort3A_413 = tpu.sort %masked_sort3A_410, %add3A_406 masked %masked_sort3A_407 : (vector<16xi32>, vector<16xi32>, vector<16xi1>) -> (vector<16xi1>, vector<16xi32>, vector<16xi32>)
      %masked_sort3A_414 = arith.xori %masked_sort3A_412, %masked_sort3A_409 : vector<16xi32>
      %shift_right_logical3A_415 = arith.constant 4 : i32
      %shift_right_logical3A_416 = vector.broadcast %shift_right_logical3A_415 : i32 to vector<16xi32>
      %shift_right_logical3A_417 = arith.shrui %masked_sort3A_414, %shift_right_logical3A_416 : vector<16xi32>
      %rem3A_418 = arith.constant 16 : i32
      %rem3A_419 = vector.broadcast %rem3A_418 : i32 to vector<16xi32>
      %rem3A_420 = arith.remsi %masked_sort3A_414, %rem3A_419 : vector<16xi32>
      %add3A_421 = vector.broadcast %mul3A_400 : i32 to vector<16xi32>
      %add3A_422 = arith.addi %add3A_421, %rem3A_420 : vector<16xi32>
      %mul3A_423 = arith.constant 8192 : i32
      %mul3A_424 = vector.broadcast %mul3A_423 : i32 to vector<16xi32>
      %mul3A_425 = arith.muli %shift_right_logical3A_417, %mul3A_424 : vector<16xi32>
      %sub3A_426 = arith.subi %add3A_422, %mul3A_425 : vector<16xi32>
      %rev3A_427 = arith.constant 15 : i32
      %rev3A_428 = vector.broadcast %rev3A_427 : i32 to vector<16xi32>
      %rev3A_429 = tpu.iota {dimensions = array<i32: 0>} : vector<16xi32>
      %rev3A_430 = arith.subi %rev3A_428, %rev3A_429 : vector<16xi32>
      %rev3A_431 = tpu.dynamic_gather %sub3A_426[%rev3A_430] in [0] : vector<16xi32>, vector<16xi32> -> vector<16xi32>
      %broadcast_in_dim3A_432 = arith.constant true
      %broadcast_in_dim3A_433 = vector.broadcast %broadcast_in_dim3A_432 : i1 to vector<16xi1>
      %masked_cummax3A_434 = arith.constant -2147483648 : i32
      %masked_cummax3A_435 = vector.broadcast %masked_cummax3A_434 : i32 to vector<16xi32>
      %masked_cummax3A_436 = arith.xori %rev3A_431, %masked_cummax3A_435 : vector<16xi32>
      %masked_cummax3A_437 = tpu.scan <max>, %masked_cummax3A_436 masked %broadcast_in_dim3A_433 : vector<16xi32>, vector<16xi1> -> vector<16xi32>
      %masked_cummax3A_438 = arith.xori %masked_cummax3A_437, %masked_cummax3A_435 : vector<16xi32>
      %rev3A_439 = arith.constant 15 : i32
      %rev3A_440 = vector.broadcast %rev3A_439 : i32 to vector<16xi32>
      %rev3A_441 = tpu.iota {dimensions = array<i32: 0>} : vector<16xi32>
      %rev3A_442 = arith.subi %rev3A_440, %rev3A_441 : vector<16xi32>
      %rev3A_443 = tpu.dynamic_gather %masked_cummax3A_438[%rev3A_442] in [0] : vector<16xi32>, vector<16xi32> -> vector<16xi32>
      %mul3A_444 = arith.constant 8192 : i32
      %mul3A_445 = vector.broadcast %mul3A_444 : i32 to vector<16xi32>
      %mul3A_446 = arith.muli %shift_right_logical3A_417, %mul3A_445 : vector<16xi32>
      %add3A_447 = arith.addi %rev3A_443, %mul3A_446 : vector<16xi32>
      tpu.vector_store_idx %arg7[%shift_right_logical3A_417], %add3A_447 : memref<16384xi32, #tpu.memory_space<vmem>>[vector<16xi32>], vector<16xi32>,
    }
    %scan3A_6 = arith.constant 256 : i32
    %add3A_7 = arith.constant 0 : i32
    %add3A_8 = arith.addi %mul3A_2, %add3A_7 : i32
    %add3A_9 = arith.constant 0 : i32
    %add3A_10 = arith.addi %add3A_8, %add3A_9 : i32
    %get3A = arith.index_cast %add3A_10 : i32 to index
    %get3A_11 = tpu.vector_load %arg6[%get3A] {strides = array<i32>} : memref<4096xi32, #tpu.memory_space<vmem>>, vector<16xi32>,
    %gather3A = tpu.vector_load_idx %arg7[%get3A_11] : memref<16384xi32, #tpu.memory_space<vmem>>[vector<16xi32>], vector<16xi32>,
    %swap3A = arith.constant 0 : i32
    %swap3A_12 = arith.index_cast %swap3A : i32 to index
    %swap3A_13 = arith.constant 0 : index
    %swap3A_14 = tpu.vector_load %arg8[%swap3A_12, %swap3A_13] {strides = array<i32>} : memref<8x16xi32, #tpu.memory_space<vmem>>, vector<16xi32>,
    tpu.vector_store %arg8[%swap3A_12, %swap3A_13], %get3A_11 {strides = array<i32>} : memref<8x16xi32, #tpu.memory_space<vmem>>, vector<16xi32>,
    %swap3A_15 = arith.constant 0 : i32
    %swap3A_16 = arith.index_cast %swap3A_15 : i32 to index
    %swap3A_17 = arith.constant 0 : index
    %swap3A_18 = tpu.vector_load %arg9[%swap3A_16, %swap3A_17] {strides = array<i32>} : memref<8x16xi32, #tpu.memory_space<vmem>>, vector<16xi32>,
    tpu.vector_store %arg9[%swap3A_16, %swap3A_17], %gather3A {strides = array<i32>} : memref<8x16xi32, #tpu.memory_space<vmem>>, vector<16xi32>,
    %add3A_19 = arith.constant 16 : i32
    %add3A_20 = arith.addi %mul3A_2, %add3A_19 : i32
    %add3A_21 = arith.constant 0 : i32
    %add3A_22 = arith.addi %add3A_20, %add3A_21 : i32
    %get3A_23 = arith.index_cast %add3A_22 : i32 to index
    %get3A_24 = tpu.vector_load %arg6[%get3A_23] {strides = array<i32>} : memref<4096xi32, #tpu.memory_space<vmem>>, vector<16xi32>,
    %gather3A_25 = tpu.vector_load_idx %arg7[%get3A_24] : memref<16384xi32, #tpu.memory_space<vmem>>[vector<16xi32>], vector<16xi32>,
    %swap3A_26 = arith.constant 1 : i32
    %swap3A_27 = arith.index_cast %swap3A_26 : i32 to index
    %swap3A_28 = arith.constant 0 : index
    %swap3A_29 = tpu.vector_load %arg8[%swap3A_27, %swap3A_28] {strides = array<i32>} : memref<8x16xi32, #tpu.memory_space<vmem>>, vector<16xi32>,
    tpu.vector_store %arg8[%swap3A_27, %swap3A_28], %get3A_24 {strides = array<i32>} : memref<8x16xi32, #tpu.memory_space<vmem>>, vector<16xi32>,
    %swap3A_30 = arith.constant 1 : i32
    %swap3A_31 = arith.index_cast %swap3A_30 : i32 to index
    %swap3A_32 = arith.constant 0 : index
    %swap3A_33 = tpu.vector_load %arg9[%swap3A_31, %swap3A_32] {strides = array<i32>} : memref<8x16xi32, #tpu.memory_space<vmem>>, vector<16xi32>,
    tpu.vector_store %arg9[%swap3A_31, %swap3A_32], %gather3A_25 {strides = array<i32>} : memref<8x16xi32, #tpu.memory_space<vmem>>, vector<16xi32>,
    %add3A_34 = arith.constant 32 : i32
    %add3A_35 = arith.addi %mul3A_2, %add3A_34 : i32
    %add3A_36 = arith.constant 0 : i32
    %add3A_37 = arith.addi %add3A_35, %add3A_36 : i32
    %get3A_38 = arith.index_cast %add3A_37 : i32 to index
    %get3A_39 = tpu.vector_load %arg6[%get3A_38] {strides = array<i32>} : memref<4096xi32, #tpu.memory_space<vmem>>, vector<16xi32>,
    %gather3A_40 = tpu.vector_load_idx %arg7[%get3A_39] : memref<16384xi32, #tpu.memory_space<vmem>>[vector<16xi32>], vector<16xi32>,
    %swap3A_41 = arith.constant 2 : i32
    %swap3A_42 = arith.index_cast %swap3A_41 : i32 to index
    %swap3A_43 = arith.constant 0 : index
    %swap3A_44 = tpu.vector_load %arg8[%swap3A_42, %swap3A_43] {strides = array<i32>} : memref<8x16xi32, #tpu.memory_space<vmem>>, vector<16xi32>,
    tpu.vector_store %arg8[%swap3A_42, %swap3A_43], %get3A_39 {strides = array<i32>} : memref<8x16xi32, #tpu.memory_space<vmem>>, vector<16xi32>,
    %swap3A_45 = arith.constant 2 : i32
    %swap3A_46 = arith.index_cast %swap3A_45 : i32 to index
    %swap3A_47 = arith.constant 0 : index
    %swap3A_48 = tpu.vector_load %arg9[%swap3A_46, %swap3A_47] {strides = array<i32>} : memref<8x16xi32, #tpu.memory_space<vmem>>, vector<16xi32>,
    tpu.vector_store %arg9[%swap3A_46, %swap3A_47], %gather3A_40 {strides = array<i32>} : memref<8x16xi32, #tpu.memory_space<vmem>>, vector<16xi32>,
    %add3A_49 = arith.constant 48 : i32
    %add3A_50 = arith.addi %mul3A_2, %add3A_49 : i32
    %add3A_51 = arith.constant 0 : i32
    %add3A_52 = arith.addi %add3A_50, %add3A_51 : i32
    %get3A_53 = arith.index_cast %add3A_52 : i32 to index
    %get3A_54 = tpu.vector_load %arg6[%get3A_53] {strides = array<i32>} : memref<4096xi32, #tpu.memory_space<vmem>>, vector<16xi32>,
    %gather3A_55 = tpu.vector_load_idx %arg7[%get3A_54] : memref<16384xi32, #tpu.memory_space<vmem>>[vector<16xi32>], vector<16xi32>,
    %swap3A_56 = arith.constant 3 : i32
    %swap3A_57 = arith.index_cast %swap3A_56 : i32 to index
    %swap3A_58 = arith.constant 0 : index
    %swap3A_59 = tpu.vector_load %arg8[%swap3A_57, %swap3A_58] {strides = array<i32>} : memref<8x16xi32, #tpu.memory_space<vmem>>, vector<16xi32>,
    tpu.vector_store %arg8[%swap3A_57, %swap3A_58], %get3A_54 {strides = array<i32>} : memref<8x16xi32, #tpu.memory_space<vmem>>, vector<16xi32>,
    %swap3A_60 = arith.constant 3 : i32
    %swap3A_61 = arith.index_cast %swap3A_60 : i32 to index
    %swap3A_62 = arith.constant 0 : index
    %swap3A_63 = tpu.vector_load %arg9[%swap3A_61, %swap3A_62] {strides = array<i32>} : memref<8x16xi32, #tpu.memory_space<vmem>>, vector<16xi32>,
    tpu.vector_store %arg9[%swap3A_61, %swap3A_62], %gather3A_55 {strides = array<i32>} : memref<8x16xi32, #tpu.memory_space<vmem>>, vector<16xi32>,
    %add3A_64 = arith.constant 64 : i32
    %add3A_65 = arith.addi %mul3A_2, %add3A_64 : i32
    %add3A_66 = arith.constant 0 : i32
    %add3A_67 = arith.addi %add3A_65, %add3A_66 : i32
    %get3A_68 = arith.index_cast %add3A_67 : i32 to index
    %get3A_69 = tpu.vector_load %arg6[%get3A_68] {strides = array<i32>} : memref<4096xi32, #tpu.memory_space<vmem>>, vector<16xi32>,
    %gather3A_70 = tpu.vector_load_idx %arg7[%get3A_69] : memref<16384xi32, #tpu.memory_space<vmem>>[vector<16xi32>], vector<16xi32>,
    %swap3A_71 = arith.constant 4 : i32
    %swap3A_72 = arith.index_cast %swap3A_71 : i32 to index
    %swap3A_73 = arith.constant 0 : index
    %swap3A_74 = tpu.vector_load %arg8[%swap3A_72, %swap3A_73] {strides = array<i32>} : memref<8x16xi32, #tpu.memory_space<vmem>>, vector<16xi32>,
    tpu.vector_store %arg8[%swap3A_72, %swap3A_73], %get3A_69 {strides = array<i32>} : memref<8x16xi32, #tpu.memory_space<vmem>>, vector<16xi32>,
    %swap3A_75 = arith.constant 4 : i32
    %swap3A_76 = arith.index_cast %swap3A_75 : i32 to index
    %swap3A_77 = arith.constant 0 : index
    %swap3A_78 = tpu.vector_load %arg9[%swap3A_76, %swap3A_77] {strides = array<i32>} : memref<8x16xi32, #tpu.memory_space<vmem>>, vector<16xi32>,
    tpu.vector_store %arg9[%swap3A_76, %swap3A_77], %gather3A_70 {strides = array<i32>} : memref<8x16xi32, #tpu.memory_space<vmem>>, vector<16xi32>,
    %add3A_79 = arith.constant 80 : i32
    %add3A_80 = arith.addi %mul3A_2, %add3A_79 : i32
    %add3A_81 = arith.constant 0 : i32
    %add3A_82 = arith.addi %add3A_80, %add3A_81 : i32
    %get3A_83 = arith.index_cast %add3A_82 : i32 to index
    %get3A_84 = tpu.vector_load %arg6[%get3A_83] {strides = array<i32>} : memref<4096xi32, #tpu.memory_space<vmem>>, vector<16xi32>,
    %gather3A_85 = tpu.vector_load_idx %arg7[%get3A_84] : memref<16384xi32, #tpu.memory_space<vmem>>[vector<16xi32>], vector<16xi32>,
    %swap3A_86 = arith.constant 5 : i32
    %swap3A_87 = arith.index_cast %swap3A_86 : i32 to index
    %swap3A_88 = arith.constant 0 : index
    %swap3A_89 = tpu.vector_load %arg8[%swap3A_87, %swap3A_88] {strides = array<i32>} : memref<8x16xi32, #tpu.memory_space<vmem>>, vector<16xi32>,
    tpu.vector_store %arg8[%swap3A_87, %swap3A_88], %get3A_84 {strides = array<i32>} : memref<8x16xi32, #tpu.memory_space<vmem>>, vector<16xi32>,
    %swap3A_90 = arith.constant 5 : i32
    %swap3A_91 = arith.index_cast %swap3A_90 : i32 to index
    %swap3A_92 = arith.constant 0 : index
    %swap3A_93 = tpu.vector_load %arg9[%swap3A_91, %swap3A_92] {strides = array<i32>} : memref<8x16xi32, #tpu.memory_space<vmem>>, vector<16xi32>,
    tpu.vector_store %arg9[%swap3A_91, %swap3A_92], %gather3A_85 {strides = array<i32>} : memref<8x16xi32, #tpu.memory_space<vmem>>, vector<16xi32>,
    %add3A_94 = arith.constant 96 : i32
    %add3A_95 = arith.addi %mul3A_2, %add3A_94 : i32
    %add3A_96 = arith.constant 0 : i32
    %add3A_97 = arith.addi %add3A_95, %add3A_96 : i32
    %get3A_98 = arith.index_cast %add3A_97 : i32 to index
    %get3A_99 = tpu.vector_load %arg6[%get3A_98] {strides = array<i32>} : memref<4096xi32, #tpu.memory_space<vmem>>, vector<16xi32>,
    %gather3A_100 = tpu.vector_load_idx %arg7[%get3A_99] : memref<16384xi32, #tpu.memory_space<vmem>>[vector<16xi32>], vector<16xi32>,
    %swap3A_101 = arith.constant 6 : i32
    %swap3A_102 = arith.index_cast %swap3A_101 : i32 to index
    %swap3A_103 = arith.constant 0 : index
    %swap3A_104 = tpu.vector_load %arg8[%swap3A_102, %swap3A_103] {strides = array<i32>} : memref<8x16xi32, #tpu.memory_space<vmem>>, vector<16xi32>,
    tpu.vector_store %arg8[%swap3A_102, %swap3A_103], %get3A_99 {strides = array<i32>} : memref<8x16xi32, #tpu.memory_space<vmem>>, vector<16xi32>,
    %swap3A_105 = arith.constant 6 : i32
    %swap3A_106 = arith.index_cast %swap3A_105 : i32 to index
    %swap3A_107 = arith.constant 0 : index
    %swap3A_108 = tpu.vector_load %arg9[%swap3A_106, %swap3A_107] {strides = array<i32>} : memref<8x16xi32, #tpu.memory_space<vmem>>, vector<16xi32>,
    tpu.vector_store %arg9[%swap3A_106, %swap3A_107], %gather3A_100 {strides = array<i32>} : memref<8x16xi32, #tpu.memory_space<vmem>>, vector<16xi32>,
    %add3A_109 = arith.constant 112 : i32
    %add3A_110 = arith.addi %mul3A_2, %add3A_109 : i32
    %add3A_111 = arith.constant 0 : i32
    %add3A_112 = arith.addi %add3A_110, %add3A_111 : i32
    %get3A_113 = arith.index_cast %add3A_112 : i32 to index
    %get3A_114 = tpu.vector_load %arg6[%get3A_113] {strides = array<i32>} : memref<4096xi32, #tpu.memory_space<vmem>>, vector<16xi32>,
    %gather3A_115 = tpu.vector_load_idx %arg7[%get3A_114] : memref<16384xi32, #tpu.memory_space<vmem>>[vector<16xi32>], vector<16xi32>,
    %swap3A_116 = arith.constant 7 : i32
    %swap3A_117 = arith.index_cast %swap3A_116 : i32 to index
    %swap3A_118 = arith.constant 0 : index
    %swap3A_119 = tpu.vector_load %arg8[%swap3A_117, %swap3A_118] {strides = array<i32>} : memref<8x16xi32, #tpu.memory_space<vmem>>, vector<16xi32>,
    tpu.vector_store %arg8[%swap3A_117, %swap3A_118], %get3A_114 {strides = array<i32>} : memref<8x16xi32, #tpu.memory_space<vmem>>, vector<16xi32>,
    %swap3A_120 = arith.constant 7 : i32
    %swap3A_121 = arith.index_cast %swap3A_120 : i32 to index
    %swap3A_122 = arith.constant 0 : index
    %swap3A_123 = tpu.vector_load %arg9[%swap3A_121, %swap3A_122] {strides = array<i32>} : memref<8x16xi32, #tpu.memory_space<vmem>>, vector<16xi32>,
    tpu.vector_store %arg9[%swap3A_121, %swap3A_122], %gather3A_115 {strides = array<i32>} : memref<8x16xi32, #tpu.memory_space<vmem>>, vector<16xi32>,
    %dma_start3A = arith.constant 0 : i32
    %dma_start3A_124 = arith.constant 0 : i32
    %dma_start3A_125 = tpu.memref_slice %arg9[%dma_start3A, %dma_start3A_124] : memref<8x16xi32, #tpu.memory_space<vmem>> -> memref<1x16xi32, #tpu.memory_space<vmem>>
    %dma_start3A_126 = tpu.memref_squeeze %dma_start3A_125 : memref<1x16xi32, #tpu.memory_space<vmem>> -> memref<16xi32, #tpu.memory_space<vmem>>
    %dma_start3A_127 = arith.constant 0 : i32
    %dma_start3A_128 = arith.constant 0 : i32
    %dma_start3A_129 = tpu.memref_slice %arg2[%dma_start3A_127, %dma_start3A_128] : memref<4096x2048xf32, #tpu.memory_space<hbm>> -> memref<4096x2048xf32, #tpu.memory_space<hbm>>
    tpu.enqueue_indirect_dma source(%dma_start3A_129 : memref<4096x2048xf32, #tpu.memory_space<hbm>>) target(%arg10 : memref<16x2048xf32, #tpu.memory_space<vmem>>) offsets(%dma_start3A_126 : memref<16xi32, #tpu.memory_space<vmem>>) semaphore(%arg12 : memref<!tpu.dma_semaphore, #tpu.memory_space<semaphore_mem>>)
    %dma_wait3A = arith.constant 0 : i32
    %dma_wait3A_130 = arith.constant 0 : i32
    %dma_wait3A_131 = tpu.memref_slice %arg9[%dma_wait3A, %dma_wait3A_130] : memref<8x16xi32, #tpu.memory_space<vmem>> -> memref<1x16xi32, #tpu.memory_space<vmem>>
    %dma_wait3A_132 = tpu.memref_squeeze %dma_wait3A_131 : memref<1x16xi32, #tpu.memory_space<vmem>> -> memref<16xi32, #tpu.memory_space<vmem>>
    %dma_wait3A_133 = arith.constant 0 : i32
    %dma_wait3A_134 = arith.constant 0 : i32
    %dma_wait3A_135 = tpu.memref_slice %arg2[%dma_wait3A_133, %dma_wait3A_134] : memref<4096x2048xf32, #tpu.memory_space<hbm>> -> memref<4096x2048xf32, #tpu.memory_space<hbm>>
    tpu.wait_indirect_dma semaphore(%arg12 : memref<!tpu.dma_semaphore, #tpu.memory_space<semaphore_mem>>) src(%dma_wait3A_135 : memref<4096x2048xf32, #tpu.memory_space<hbm>>) dst(%arg10 : memref<16x2048xf32, #tpu.memory_space<vmem>>)
    %dma_start3A_136 = arith.constant 0 : i32
    %dma_start3A_137 = arith.constant 0 : i32
    %dma_start3A_138 = tpu.memref_slice %arg8[%dma_start3A_136, %dma_start3A_137] : memref<8x16xi32, #tpu.memory_space<vmem>> -> memref<1x16xi32, #tpu.memory_space<vmem>>
    %dma_start3A_139 = tpu.memref_squeeze %dma_start3A_138 : memref<1x16xi32, #tpu.memory_space<vmem>> -> memref<16xi32, #tpu.memory_space<vmem>>
    %dma_start3A_140 = arith.constant 0 : i32
    %dma_start3A_141 = arith.constant 0 : i32
    %dma_start3A_142 = tpu.memref_slice %arg4[%dma_start3A_140, %dma_start3A_141] : memref<16384x2048xf32, #tpu.memory_space<hbm>> -> memref<16384x2048xf32, #tpu.memory_space<hbm>>
    tpu.enqueue_indirect_dma source(%arg10 : memref<16x2048xf32, #tpu.memory_space<vmem>>) target(%dma_start3A_142 : memref<16384x2048xf32, #tpu.memory_space<hbm>>) offsets(%dma_start3A_139 : memref<16xi32, #tpu.memory_space<vmem>>) semaphore(%arg13 : memref<!tpu.dma_semaphore, #tpu.memory_space<semaphore_mem>>)
    %dma_start3A_143 = arith.constant 1 : i32
    %dma_start3A_144 = arith.constant 0 : i32
    %dma_start3A_145 = tpu.memref_slice %arg9[%dma_start3A_143, %dma_start3A_144] : memref<8x16xi32, #tpu.memory_space<vmem>> -> memref<1x16xi32, #tpu.memory_space<vmem>>
    %dma_start3A_146 = tpu.memref_squeeze %dma_start3A_145 : memref<1x16xi32, #tpu.memory_space<vmem>> -> memref<16xi32, #tpu.memory_space<vmem>>
    %dma_start3A_147 = arith.constant 0 : i32
    %dma_start3A_148 = arith.constant 0 : i32
    %dma_start3A_149 = tpu.memref_slice %arg2[%dma_start3A_147, %dma_start3A_148] : memref<4096x2048xf32, #tpu.memory_space<hbm>> -> memref<4096x2048xf32, #tpu.memory_space<hbm>>
    tpu.enqueue_indirect_dma source(%dma_start3A_149 : memref<4096x2048xf32, #tpu.memory_space<hbm>>) target(%arg11 : memref<16x2048xf32, #tpu.memory_space<vmem>>) offsets(%dma_start3A_146 : memref<16xi32, #tpu.memory_space<vmem>>) semaphore(%arg12 : memref<!tpu.dma_semaphore, #tpu.memory_space<semaphore_mem>>)
    %dma_wait3A_150 = arith.constant 0 : i32
    %dma_wait3A_151 = arith.constant 0 : i32
    %dma_wait3A_152 = tpu.memref_slice %arg8[%dma_wait3A_150, %dma_wait3A_151] : memref<8x16xi32, #tpu.memory_space<vmem>> -> memref<1x16xi32, #tpu.memory_space<vmem>>
    %dma_wait3A_153 = tpu.memref_squeeze %dma_wait3A_152 : memref<1x16xi32, #tpu.memory_space<vmem>> -> memref<16xi32, #tpu.memory_space<vmem>>
    %dma_wait3A_154 = arith.constant 0 : i32
    %dma_wait3A_155 = arith.constant 0 : i32
    %dma_wait3A_156 = tpu.memref_slice %arg4[%dma_wait3A_154, %dma_wait3A_155] : memref<16384x2048xf32, #tpu.memory_space<hbm>> -> memref<16384x2048xf32, #tpu.memory_space<hbm>>
    tpu.wait_indirect_dma semaphore(%arg13 : memref<!tpu.dma_semaphore, #tpu.memory_space<semaphore_mem>>) src(%arg10 : memref<16x2048xf32, #tpu.memory_space<vmem>>) dst(%dma_wait3A_156 : memref<16384x2048xf32, #tpu.memory_space<hbm>>)
    %dma_wait3A_157 = arith.constant 1 : i32
    %dma_wait3A_158 = arith.constant 0 : i32
    %dma_wait3A_159 = tpu.memref_slice %arg9[%dma_wait3A_157, %dma_wait3A_158] : memref<8x16xi32, #tpu.memory_space<vmem>> -> memref<1x16xi32, #tpu.memory_space<vmem>>
    %dma_wait3A_160 = tpu.memref_squeeze %dma_wait3A_159 : memref<1x16xi32, #tpu.memory_space<vmem>> -> memref<16xi32, #tpu.memory_space<vmem>>
    %dma_wait3A_161 = arith.constant 0 : i32
    %dma_wait3A_162 = arith.constant 0 : i32
    %dma_wait3A_163 = tpu.memref_slice %arg2[%dma_wait3A_161, %dma_wait3A_162] : memref<4096x2048xf32, #tpu.memory_space<hbm>> -> memref<4096x2048xf32, #tpu.memory_space<hbm>>
    tpu.wait_indirect_dma semaphore(%arg12 : memref<!tpu.dma_semaphore, #tpu.memory_space<semaphore_mem>>) src(%dma_wait3A_163 : memref<4096x2048xf32, #tpu.memory_space<hbm>>) dst(%arg11 : memref<16x2048xf32, #tpu.memory_space<vmem>>)
    %dma_start3A_164 = arith.constant 1 : i32
    %dma_start3A_165 = arith.constant 0 : i32
    %dma_start3A_166 = tpu.memref_slice %arg8[%dma_start3A_164, %dma_start3A_165] : memref<8x16xi32, #tpu.memory_space<vmem>> -> memref<1x16xi32, #tpu.memory_space<vmem>>
    %dma_start3A_167 = tpu.memref_squeeze %dma_start3A_166 : memref<1x16xi32, #tpu.memory_space<vmem>> -> memref<16xi32, #tpu.memory_space<vmem>>
    %dma_start3A_168 = arith.constant 0 : i32
    %dma_start3A_169 = arith.constant 0 : i32
    %dma_start3A_170 = tpu.memref_slice %arg4[%dma_start3A_168, %dma_start3A_169] : memref<16384x2048xf32, #tpu.memory_space<hbm>> -> memref<16384x2048xf32, #tpu.memory_space<hbm>>
    tpu.enqueue_indirect_dma source(%arg11 : memref<16x2048xf32, #tpu.memory_space<vmem>>) target(%dma_start3A_170 : memref<16384x2048xf32, #tpu.memory_space<hbm>>) offsets(%dma_start3A_167 : memref<16xi32, #tpu.memory_space<vmem>>) semaphore(%arg13 : memref<!tpu.dma_semaphore, #tpu.memory_space<semaphore_mem>>)
    %dma_start3A_171 = arith.constant 2 : i32
    %dma_start3A_172 = arith.constant 0 : i32
    %dma_start3A_173 = tpu.memref_slice %arg9[%dma_start3A_171, %dma_start3A_172] : memref<8x16xi32, #tpu.memory_space<vmem>> -> memref<1x16xi32, #tpu.memory_space<vmem>>
    %dma_start3A_174 = tpu.memref_squeeze %dma_start3A_173 : memref<1x16xi32, #tpu.memory_space<vmem>> -> memref<16xi32, #tpu.memory_space<vmem>>
    %dma_start3A_175 = arith.constant 0 : i32
    %dma_start3A_176 = arith.constant 0 : i32
    %dma_start3A_177 = tpu.memref_slice %arg2[%dma_start3A_175, %dma_start3A_176] : memref<4096x2048xf32, #tpu.memory_space<hbm>> -> memref<4096x2048xf32, #tpu.memory_space<hbm>>
    tpu.enqueue_indirect_dma source(%dma_start3A_177 : memref<4096x2048xf32, #tpu.memory_space<hbm>>) target(%arg10 : memref<16x2048xf32, #tpu.memory_space<vmem>>) offsets(%dma_start3A_174 : memref<16xi32, #tpu.memory_space<vmem>>) semaphore(%arg12 : memref<!tpu.dma_semaphore, #tpu.memory_space<semaphore_mem>>)
    %dma_wait3A_178 = arith.constant 1 : i32
    %dma_wait3A_179 = arith.constant 0 : i32
    %dma_wait3A_180 = tpu.memref_slice %arg8[%dma_wait3A_178, %dma_wait3A_179] : memref<8x16xi32, #tpu.memory_space<vmem>> -> memref<1x16xi32, #tpu.memory_space<vmem>>
    %dma_wait3A_181 = tpu.memref_squeeze %dma_wait3A_180 : memref<1x16xi32, #tpu.memory_space<vmem>> -> memref<16xi32, #tpu.memory_space<vmem>>
    %dma_wait3A_182 = arith.constant 0 : i32
    %dma_wait3A_183 = arith.constant 0 : i32
    %dma_wait3A_184 = tpu.memref_slice %arg4[%dma_wait3A_182, %dma_wait3A_183] : memref<16384x2048xf32, #tpu.memory_space<hbm>> -> memref<16384x2048xf32, #tpu.memory_space<hbm>>
    tpu.wait_indirect_dma semaphore(%arg13 : memref<!tpu.dma_semaphore, #tpu.memory_space<semaphore_mem>>) src(%arg11 : memref<16x2048xf32, #tpu.memory_space<vmem>>) dst(%dma_wait3A_184 : memref<16384x2048xf32, #tpu.memory_space<hbm>>)
    %dma_wait3A_185 = arith.constant 2 : i32
    %dma_wait3A_186 = arith.constant 0 : i32
    %dma_wait3A_187 = tpu.memref_slice %arg9[%dma_wait3A_185, %dma_wait3A_186] : memref<8x16xi32, #tpu.memory_space<vmem>> -> memref<1x16xi32, #tpu.memory_space<vmem>>
    %dma_wait3A_188 = tpu.memref_squeeze %dma_wait3A_187 : memref<1x16xi32, #tpu.memory_space<vmem>> -> memref<16xi32, #tpu.memory_space<vmem>>
    %dma_wait3A_189 = arith.constant 0 : i32
    %dma_wait3A_190 = arith.constant 0 : i32
    %dma_wait3A_191 = tpu.memref_slice %arg2[%dma_wait3A_189, %dma_wait3A_190] : memref<4096x2048xf32, #tpu.memory_space<hbm>> -> memref<4096x2048xf32, #tpu.memory_space<hbm>>
    tpu.wait_indirect_dma semaphore(%arg12 : memref<!tpu.dma_semaphore, #tpu.memory_space<semaphore_mem>>) src(%dma_wait3A_191 : memref<4096x2048xf32, #tpu.memory_space<hbm>>) dst(%arg10 : memref<16x2048xf32, #tpu.memory_space<vmem>>)
    %dma_start3A_192 = arith.constant 2 : i32
    %dma_start3A_193 = arith.constant 0 : i32
    %dma_start3A_194 = tpu.memref_slice %arg8[%dma_start3A_192, %dma_start3A_193] : memref<8x16xi32, #tpu.memory_space<vmem>> -> memref<1x16xi32, #tpu.memory_space<vmem>>
    %dma_start3A_195 = tpu.memref_squeeze %dma_start3A_194 : memref<1x16xi32, #tpu.memory_space<vmem>> -> memref<16xi32, #tpu.memory_space<vmem>>
    %dma_start3A_196 = arith.constant 0 : i32
    %dma_start3A_197 = arith.constant 0 : i32
    %dma_start3A_198 = tpu.memref_slice %arg4[%dma_start3A_196, %dma_start3A_197] : memref<16384x2048xf32, #tpu.memory_space<hbm>> -> memref<16384x2048xf32, #tpu.memory_space<hbm>>
    tpu.enqueue_indirect_dma source(%arg10 : memref<16x2048xf32, #tpu.memory_space<vmem>>) target(%dma_start3A_198 : memref<16384x2048xf32, #tpu.memory_space<hbm>>) offsets(%dma_start3A_195 : memref<16xi32, #tpu.memory_space<vmem>>) semaphore(%arg13 : memref<!tpu.dma_semaphore, #tpu.memory_space<semaphore_mem>>)
    %dma_start3A_199 = arith.constant 3 : i32
    %dma_start3A_200 = arith.constant 0 : i32
    %dma_start3A_201 = tpu.memref_slice %arg9[%dma_start3A_199, %dma_start3A_200] : memref<8x16xi32, #tpu.memory_space<vmem>> -> memref<1x16xi32, #tpu.memory_space<vmem>>
    %dma_start3A_202 = tpu.memref_squeeze %dma_start3A_201 : memref<1x16xi32, #tpu.memory_space<vmem>> -> memref<16xi32, #tpu.memory_space<vmem>>
    %dma_start3A_203 = arith.constant 0 : i32
    %dma_start3A_204 = arith.constant 0 : i32
    %dma_start3A_205 = tpu.memref_slice %arg2[%dma_start3A_203, %dma_start3A_204] : memref<4096x2048xf32, #tpu.memory_space<hbm>> -> memref<4096x2048xf32, #tpu.memory_space<hbm>>
    tpu.enqueue_indirect_dma source(%dma_start3A_205 : memref<4096x2048xf32, #tpu.memory_space<hbm>>) target(%arg11 : memref<16x2048xf32, #tpu.memory_space<vmem>>) offsets(%dma_start3A_202 : memref<16xi32, #tpu.memory_space<vmem>>) semaphore(%arg12 : memref<!tpu.dma_semaphore, #tpu.memory_space<semaphore_mem>>)
    %dma_wait3A_206 = arith.constant 2 : i32
    %dma_wait3A_207 = arith.constant 0 : i32
    %dma_wait3A_208 = tpu.memref_slice %arg8[%dma_wait3A_206, %dma_wait3A_207] : memref<8x16xi32, #tpu.memory_space<vmem>> -> memref<1x16xi32, #tpu.memory_space<vmem>>
    %dma_wait3A_209 = tpu.memref_squeeze %dma_wait3A_208 : memref<1x16xi32, #tpu.memory_space<vmem>> -> memref<16xi32, #tpu.memory_space<vmem>>
    %dma_wait3A_210 = arith.constant 0 : i32
    %dma_wait3A_211 = arith.constant 0 : i32
    %dma_wait3A_212 = tpu.memref_slice %arg4[%dma_wait3A_210, %dma_wait3A_211] : memref<16384x2048xf32, #tpu.memory_space<hbm>> -> memref<16384x2048xf32, #tpu.memory_space<hbm>>
    tpu.wait_indirect_dma semaphore(%arg13 : memref<!tpu.dma_semaphore, #tpu.memory_space<semaphore_mem>>) src(%arg10 : memref<16x2048xf32, #tpu.memory_space<vmem>>) dst(%dma_wait3A_212 : memref<16384x2048xf32, #tpu.memory_space<hbm>>)
    %dma_wait3A_213 = arith.constant 3 : i32
    %dma_wait3A_214 = arith.constant 0 : i32
    %dma_wait3A_215 = tpu.memref_slice %arg9[%dma_wait3A_213, %dma_wait3A_214] : memref<8x16xi32, #tpu.memory_space<vmem>> -> memref<1x16xi32, #tpu.memory_space<vmem>>
    %dma_wait3A_216 = tpu.memref_squeeze %dma_wait3A_215 : memref<1x16xi32, #tpu.memory_space<vmem>> -> memref<16xi32, #tpu.memory_space<vmem>>
    %dma_wait3A_217 = arith.constant 0 : i32
    %dma_wait3A_218 = arith.constant 0 : i32
    %dma_wait3A_219 = tpu.memref_slice %arg2[%dma_wait3A_217, %dma_wait3A_218] : memref<4096x2048xf32, #tpu.memory_space<hbm>> -> memref<4096x2048xf32, #tpu.memory_space<hbm>>
    tpu.wait_indirect_dma semaphore(%arg12 : memref<!tpu.dma_semaphore, #tpu.memory_space<semaphore_mem>>) src(%dma_wait3A_219 : memref<4096x2048xf32, #tpu.memory_space<hbm>>) dst(%arg11 : memref<16x2048xf32, #tpu.memory_space<vmem>>)
    %dma_start3A_220 = arith.constant 3 : i32
    %dma_start3A_221 = arith.constant 0 : i32
    %dma_start3A_222 = tpu.memref_slice %arg8[%dma_start3A_220, %dma_start3A_221] : memref<8x16xi32, #tpu.memory_space<vmem>> -> memref<1x16xi32, #tpu.memory_space<vmem>>
    %dma_start3A_223 = tpu.memref_squeeze %dma_start3A_222 : memref<1x16xi32, #tpu.memory_space<vmem>> -> memref<16xi32, #tpu.memory_space<vmem>>
    %dma_start3A_224 = arith.constant 0 : i32
    %dma_start3A_225 = arith.constant 0 : i32
    %dma_start3A_226 = tpu.memref_slice %arg4[%dma_start3A_224, %dma_start3A_225] : memref<16384x2048xf32, #tpu.memory_space<hbm>> -> memref<16384x2048xf32, #tpu.memory_space<hbm>>
    tpu.enqueue_indirect_dma source(%arg11 : memref<16x2048xf32, #tpu.memory_space<vmem>>) target(%dma_start3A_226 : memref<16384x2048xf32, #tpu.memory_space<hbm>>) offsets(%dma_start3A_223 : memref<16xi32, #tpu.memory_space<vmem>>) semaphore(%arg13 : memref<!tpu.dma_semaphore, #tpu.memory_space<semaphore_mem>>)
    %dma_start3A_227 = arith.constant 4 : i32
    %dma_start3A_228 = arith.constant 0 : i32
    %dma_start3A_229 = tpu.memref_slice %arg9[%dma_start3A_227, %dma_start3A_228] : memref<8x16xi32, #tpu.memory_space<vmem>> -> memref<1x16xi32, #tpu.memory_space<vmem>>
    %dma_start3A_230 = tpu.memref_squeeze %dma_start3A_229 : memref<1x16xi32, #tpu.memory_space<vmem>> -> memref<16xi32, #tpu.memory_space<vmem>>
    %dma_start3A_231 = arith.constant 0 : i32
    %dma_start3A_232 = arith.constant 0 : i32
    %dma_start3A_233 = tpu.memref_slice %arg2[%dma_start3A_231, %dma_start3A_232] : memref<4096x2048xf32, #tpu.memory_space<hbm>> -> memref<4096x2048xf32, #tpu.memory_space<hbm>>
    tpu.enqueue_indirect_dma source(%dma_start3A_233 : memref<4096x2048xf32, #tpu.memory_space<hbm>>) target(%arg10 : memref<16x2048xf32, #tpu.memory_space<vmem>>) offsets(%dma_start3A_230 : memref<16xi32, #tpu.memory_space<vmem>>) semaphore(%arg12 : memref<!tpu.dma_semaphore, #tpu.memory_space<semaphore_mem>>)
    %dma_wait3A_234 = arith.constant 3 : i32
    %dma_wait3A_235 = arith.constant 0 : i32
    %dma_wait3A_236 = tpu.memref_slice %arg8[%dma_wait3A_234, %dma_wait3A_235] : memref<8x16xi32, #tpu.memory_space<vmem>> -> memref<1x16xi32, #tpu.memory_space<vmem>>
    %dma_wait3A_237 = tpu.memref_squeeze %dma_wait3A_236 : memref<1x16xi32, #tpu.memory_space<vmem>> -> memref<16xi32, #tpu.memory_space<vmem>>
    %dma_wait3A_238 = arith.constant 0 : i32
    %dma_wait3A_239 = arith.constant 0 : i32
    %dma_wait3A_240 = tpu.memref_slice %arg4[%dma_wait3A_238, %dma_wait3A_239] : memref<16384x2048xf32, #tpu.memory_space<hbm>> -> memref<16384x2048xf32, #tpu.memory_space<hbm>>
    tpu.wait_indirect_dma semaphore(%arg13 : memref<!tpu.dma_semaphore, #tpu.memory_space<semaphore_mem>>) src(%arg11 : memref<16x2048xf32, #tpu.memory_space<vmem>>) dst(%dma_wait3A_240 : memref<16384x2048xf32, #tpu.memory_space<hbm>>)
    %dma_wait3A_241 = arith.constant 4 : i32
    %dma_wait3A_242 = arith.constant 0 : i32
    %dma_wait3A_243 = tpu.memref_slice %arg9[%dma_wait3A_241, %dma_wait3A_242] : memref<8x16xi32, #tpu.memory_space<vmem>> -> memref<1x16xi32, #tpu.memory_space<vmem>>
    %dma_wait3A_244 = tpu.memref_squeeze %dma_wait3A_243 : memref<1x16xi32, #tpu.memory_space<vmem>> -> memref<16xi32, #tpu.memory_space<vmem>>
    %dma_wait3A_245 = arith.constant 0 : i32
    %dma_wait3A_246 = arith.constant 0 : i32
    %dma_wait3A_247 = tpu.memref_slice %arg2[%dma_wait3A_245, %dma_wait3A_246] : memref<4096x2048xf32, #tpu.memory_space<hbm>> -> memref<4096x2048xf32, #tpu.memory_space<hbm>>
    tpu.wait_indirect_dma semaphore(%arg12 : memref<!tpu.dma_semaphore, #tpu.memory_space<semaphore_mem>>) src(%dma_wait3A_247 : memref<4096x2048xf32, #tpu.memory_space<hbm>>) dst(%arg10 : memref<16x2048xf32, #tpu.memory_space<vmem>>)
    %dma_start3A_248 = arith.constant 4 : i32
    %dma_start3A_249 = arith.constant 0 : i32
    %dma_start3A_250 = tpu.memref_slice %arg8[%dma_start3A_248, %dma_start3A_249] : memref<8x16xi32, #tpu.memory_space<vmem>> -> memref<1x16xi32, #tpu.memory_space<vmem>>
    %dma_start3A_251 = tpu.memref_squeeze %dma_start3A_250 : memref<1x16xi32, #tpu.memory_space<vmem>> -> memref<16xi32, #tpu.memory_space<vmem>>
    %dma_start3A_252 = arith.constant 0 : i32
    %dma_start3A_253 = arith.constant 0 : i32
    %dma_start3A_254 = tpu.memref_slice %arg4[%dma_start3A_252, %dma_start3A_253] : memref<16384x2048xf32, #tpu.memory_space<hbm>> -> memref<16384x2048xf32, #tpu.memory_space<hbm>>
    tpu.enqueue_indirect_dma source(%arg10 : memref<16x2048xf32, #tpu.memory_space<vmem>>) target(%dma_start3A_254 : memref<16384x2048xf32, #tpu.memory_space<hbm>>) offsets(%dma_start3A_251 : memref<16xi32, #tpu.memory_space<vmem>>) semaphore(%arg13 : memref<!tpu.dma_semaphore, #tpu.memory_space<semaphore_mem>>)
    %dma_start3A_255 = arith.constant 5 : i32
    %dma_start3A_256 = arith.constant 0 : i32
    %dma_start3A_257 = tpu.memref_slice %arg9[%dma_start3A_255, %dma_start3A_256] : memref<8x16xi32, #tpu.memory_space<vmem>> -> memref<1x16xi32, #tpu.memory_space<vmem>>
    %dma_start3A_258 = tpu.memref_squeeze %dma_start3A_257 : memref<1x16xi32, #tpu.memory_space<vmem>> -> memref<16xi32, #tpu.memory_space<vmem>>
    %dma_start3A_259 = arith.constant 0 : i32
    %dma_start3A_260 = arith.constant 0 : i32
    %dma_start3A_261 = tpu.memref_slice %arg2[%dma_start3A_259, %dma_start3A_260] : memref<4096x2048xf32, #tpu.memory_space<hbm>> -> memref<4096x2048xf32, #tpu.memory_space<hbm>>
    tpu.enqueue_indirect_dma source(%dma_start3A_261 : memref<4096x2048xf32, #tpu.memory_space<hbm>>) target(%arg11 : memref<16x2048xf32, #tpu.memory_space<vmem>>) offsets(%dma_start3A_258 : memref<16xi32, #tpu.memory_space<vmem>>) semaphore(%arg12 : memref<!tpu.dma_semaphore, #tpu.memory_space<semaphore_mem>>)
    %dma_wait3A_262 = arith.constant 4 : i32
    %dma_wait3A_263 = arith.constant 0 : i32
    %dma_wait3A_264 = tpu.memref_slice %arg8[%dma_wait3A_262, %dma_wait3A_263] : memref<8x16xi32, #tpu.memory_space<vmem>> -> memref<1x16xi32, #tpu.memory_space<vmem>>
    %dma_wait3A_265 = tpu.memref_squeeze %dma_wait3A_264 : memref<1x16xi32, #tpu.memory_space<vmem>> -> memref<16xi32, #tpu.memory_space<vmem>>
    %dma_wait3A_266 = arith.constant 0 : i32
    %dma_wait3A_267 = arith.constant 0 : i32
    %dma_wait3A_268 = tpu.memref_slice %arg4[%dma_wait3A_266, %dma_wait3A_267] : memref<16384x2048xf32, #tpu.memory_space<hbm>> -> memref<16384x2048xf32, #tpu.memory_space<hbm>>
    tpu.wait_indirect_dma semaphore(%arg13 : memref<!tpu.dma_semaphore, #tpu.memory_space<semaphore_mem>>) src(%arg10 : memref<16x2048xf32, #tpu.memory_space<vmem>>) dst(%dma_wait3A_268 : memref<16384x2048xf32, #tpu.memory_space<hbm>>)
    %dma_wait3A_269 = arith.constant 5 : i32
    %dma_wait3A_270 = arith.constant 0 : i32
    %dma_wait3A_271 = tpu.memref_slice %arg9[%dma_wait3A_269, %dma_wait3A_270] : memref<8x16xi32, #tpu.memory_space<vmem>> -> memref<1x16xi32, #tpu.memory_space<vmem>>
    %dma_wait3A_272 = tpu.memref_squeeze %dma_wait3A_271 : memref<1x16xi32, #tpu.memory_space<vmem>> -> memref<16xi32, #tpu.memory_space<vmem>>
    %dma_wait3A_273 = arith.constant 0 : i32
    %dma_wait3A_274 = arith.constant 0 : i32
    %dma_wait3A_275 = tpu.memref_slice %arg2[%dma_wait3A_273, %dma_wait3A_274] : memref<4096x2048xf32, #tpu.memory_space<hbm>> -> memref<4096x2048xf32, #tpu.memory_space<hbm>>
    tpu.wait_indirect_dma semaphore(%arg12 : memref<!tpu.dma_semaphore, #tpu.memory_space<semaphore_mem>>) src(%dma_wait3A_275 : memref<4096x2048xf32, #tpu.memory_space<hbm>>) dst(%arg11 : memref<16x2048xf32, #tpu.memory_space<vmem>>)
    %dma_start3A_276 = arith.constant 5 : i32
    %dma_start3A_277 = arith.constant 0 : i32
    %dma_start3A_278 = tpu.memref_slice %arg8[%dma_start3A_276, %dma_start3A_277] : memref<8x16xi32, #tpu.memory_space<vmem>> -> memref<1x16xi32, #tpu.memory_space<vmem>>
    %dma_start3A_279 = tpu.memref_squeeze %dma_start3A_278 : memref<1x16xi32, #tpu.memory_space<vmem>> -> memref<16xi32, #tpu.memory_space<vmem>>
    %dma_start3A_280 = arith.constant 0 : i32
    %dma_start3A_281 = arith.constant 0 : i32
    %dma_start3A_282 = tpu.memref_slice %arg4[%dma_start3A_280, %dma_start3A_281] : memref<16384x2048xf32, #tpu.memory_space<hbm>> -> memref<16384x2048xf32, #tpu.memory_space<hbm>>
    tpu.enqueue_indirect_dma source(%arg11 : memref<16x2048xf32, #tpu.memory_space<vmem>>) target(%dma_start3A_282 : memref<16384x2048xf32, #tpu.memory_space<hbm>>) offsets(%dma_start3A_279 : memref<16xi32, #tpu.memory_space<vmem>>) semaphore(%arg13 : memref<!tpu.dma_semaphore, #tpu.memory_space<semaphore_mem>>)
    %dma_start3A_283 = arith.constant 6 : i32
    %dma_start3A_284 = arith.constant 0 : i32
    %dma_start3A_285 = tpu.memref_slice %arg9[%dma_start3A_283, %dma_start3A_284] : memref<8x16xi32, #tpu.memory_space<vmem>> -> memref<1x16xi32, #tpu.memory_space<vmem>>
    %dma_start3A_286 = tpu.memref_squeeze %dma_start3A_285 : memref<1x16xi32, #tpu.memory_space<vmem>> -> memref<16xi32, #tpu.memory_space<vmem>>
    %dma_start3A_287 = arith.constant 0 : i32
    %dma_start3A_288 = arith.constant 0 : i32
    %dma_start3A_289 = tpu.memref_slice %arg2[%dma_start3A_287, %dma_start3A_288] : memref<4096x2048xf32, #tpu.memory_space<hbm>> -> memref<4096x2048xf32, #tpu.memory_space<hbm>>
    tpu.enqueue_indirect_dma source(%dma_start3A_289 : memref<4096x2048xf32, #tpu.memory_space<hbm>>) target(%arg10 : memref<16x2048xf32, #tpu.memory_space<vmem>>) offsets(%dma_start3A_286 : memref<16xi32, #tpu.memory_space<vmem>>) semaphore(%arg12 : memref<!tpu.dma_semaphore, #tpu.memory_space<semaphore_mem>>)
    %dma_wait3A_290 = arith.constant 5 : i32
    %dma_wait3A_291 = arith.constant 0 : i32
    %dma_wait3A_292 = tpu.memref_slice %arg8[%dma_wait3A_290, %dma_wait3A_291] : memref<8x16xi32, #tpu.memory_space<vmem>> -> memref<1x16xi32, #tpu.memory_space<vmem>>
    %dma_wait3A_293 = tpu.memref_squeeze %dma_wait3A_292 : memref<1x16xi32, #tpu.memory_space<vmem>> -> memref<16xi32, #tpu.memory_space<vmem>>
    %dma_wait3A_294 = arith.constant 0 : i32
    %dma_wait3A_295 = arith.constant 0 : i32
    %dma_wait3A_296 = tpu.memref_slice %arg4[%dma_wait3A_294, %dma_wait3A_295] : memref<16384x2048xf32, #tpu.memory_space<hbm>> -> memref<16384x2048xf32, #tpu.memory_space<hbm>>
    tpu.wait_indirect_dma semaphore(%arg13 : memref<!tpu.dma_semaphore, #tpu.memory_space<semaphore_mem>>) src(%arg11 : memref<16x2048xf32, #tpu.memory_space<vmem>>) dst(%dma_wait3A_296 : memref<16384x2048xf32, #tpu.memory_space<hbm>>)
    %dma_wait3A_297 = arith.constant 6 : i32
    %dma_wait3A_298 = arith.constant 0 : i32
    %dma_wait3A_299 = tpu.memref_slice %arg9[%dma_wait3A_297, %dma_wait3A_298] : memref<8x16xi32, #tpu.memory_space<vmem>> -> memref<1x16xi32, #tpu.memory_space<vmem>>
    %dma_wait3A_300 = tpu.memref_squeeze %dma_wait3A_299 : memref<1x16xi32, #tpu.memory_space<vmem>> -> memref<16xi32, #tpu.memory_space<vmem>>
    %dma_wait3A_301 = arith.constant 0 : i32
    %dma_wait3A_302 = arith.constant 0 : i32
    %dma_wait3A_303 = tpu.memref_slice %arg2[%dma_wait3A_301, %dma_wait3A_302] : memref<4096x2048xf32, #tpu.memory_space<hbm>> -> memref<4096x2048xf32, #tpu.memory_space<hbm>>
    tpu.wait_indirect_dma semaphore(%arg12 : memref<!tpu.dma_semaphore, #tpu.memory_space<semaphore_mem>>) src(%dma_wait3A_303 : memref<4096x2048xf32, #tpu.memory_space<hbm>>) dst(%arg10 : memref<16x2048xf32, #tpu.memory_space<vmem>>)
    %dma_start3A_304 = arith.constant 6 : i32
    %dma_start3A_305 = arith.constant 0 : i32
    %dma_start3A_306 = tpu.memref_slice %arg8[%dma_start3A_304, %dma_start3A_305] : memref<8x16xi32, #tpu.memory_space<vmem>> -> memref<1x16xi32, #tpu.memory_space<vmem>>
    %dma_start3A_307 = tpu.memref_squeeze %dma_start3A_306 : memref<1x16xi32, #tpu.memory_space<vmem>> -> memref<16xi32, #tpu.memory_space<vmem>>
    %dma_start3A_308 = arith.constant 0 : i32
    %dma_start3A_309 = arith.constant 0 : i32
    %dma_start3A_310 = tpu.memref_slice %arg4[%dma_start3A_308, %dma_start3A_309] : memref<16384x2048xf32, #tpu.memory_space<hbm>> -> memref<16384x2048xf32, #tpu.memory_space<hbm>>
    tpu.enqueue_indirect_dma source(%arg10 : memref<16x2048xf32, #tpu.memory_space<vmem>>) target(%dma_start3A_310 : memref<16384x2048xf32, #tpu.memory_space<hbm>>) offsets(%dma_start3A_307 : memref<16xi32, #tpu.memory_space<vmem>>) semaphore(%arg13 : memref<!tpu.dma_semaphore, #tpu.memory_space<semaphore_mem>>)
    %dma_start3A_311 = arith.constant 7 : i32
    %dma_start3A_312 = arith.constant 0 : i32
    %dma_start3A_313 = tpu.memref_slice %arg9[%dma_start3A_311, %dma_start3A_312] : memref<8x16xi32, #tpu.memory_space<vmem>> -> memref<1x16xi32, #tpu.memory_space<vmem>>
    %dma_start3A_314 = tpu.memref_squeeze %dma_start3A_313 : memref<1x16xi32, #tpu.memory_space<vmem>> -> memref<16xi32, #tpu.memory_space<vmem>>
    %dma_start3A_315 = arith.constant 0 : i32
    %dma_start3A_316 = arith.constant 0 : i32
    %dma_start3A_317 = tpu.memref_slice %arg2[%dma_start3A_315, %dma_start3A_316] : memref<4096x2048xf32, #tpu.memory_space<hbm>> -> memref<4096x2048xf32, #tpu.memory_space<hbm>>
    tpu.enqueue_indirect_dma source(%dma_start3A_317 : memref<4096x2048xf32, #tpu.memory_space<hbm>>) target(%arg11 : memref<16x2048xf32, #tpu.memory_space<vmem>>) offsets(%dma_start3A_314 : memref<16xi32, #tpu.memory_space<vmem>>) semaphore(%arg12 : memref<!tpu.dma_semaphore, #tpu.memory_space<semaphore_mem>>)
    %dma_wait3A_318 = arith.constant 6 : i32
    %dma_wait3A_319 = arith.constant 0 : i32
    %dma_wait3A_320 = tpu.memref_slice %arg8[%dma_wait3A_318, %dma_wait3A_319] : memref<8x16xi32, #tpu.memory_space<vmem>> -> memref<1x16xi32, #tpu.memory_space<vmem>>
    %dma_wait3A_321 = tpu.memref_squeeze %dma_wait3A_320 : memref<1x16xi32, #tpu.memory_space<vmem>> -> memref<16xi32, #tpu.memory_space<vmem>>
    %dma_wait3A_322 = arith.constant 0 : i32
    %dma_wait3A_323 = arith.constant 0 : i32
    %dma_wait3A_324 = tpu.memref_slice %arg4[%dma_wait3A_322, %dma_wait3A_323] : memref<16384x2048xf32, #tpu.memory_space<hbm>> -> memref<16384x2048xf32, #tpu.memory_space<hbm>>
    tpu.wait_indirect_dma semaphore(%arg13 : memref<!tpu.dma_semaphore, #tpu.memory_space<semaphore_mem>>) src(%arg10 : memref<16x2048xf32, #tpu.memory_space<vmem>>) dst(%dma_wait3A_324 : memref<16384x2048xf32, #tpu.memory_space<hbm>>)
    %dma_wait3A_325 = arith.constant 7 : i32
    %dma_wait3A_326 = arith.constant 0 : i32
    %dma_wait3A_327 = tpu.memref_slice %arg9[%dma_wait3A_325, %dma_wait3A_326] : memref<8x16xi32, #tpu.memory_space<vmem>> -> memref<1x16xi32, #tpu.memory_space<vmem>>
    %dma_wait3A_328 = tpu.memref_squeeze %dma_wait3A_327 : memref<1x16xi32, #tpu.memory_space<vmem>> -> memref<16xi32, #tpu.memory_space<vmem>>
    %dma_wait3A_329 = arith.constant 0 : i32
    %dma_wait3A_330 = arith.constant 0 : i32
    %dma_wait3A_331 = tpu.memref_slice %arg2[%dma_wait3A_329, %dma_wait3A_330] : memref<4096x2048xf32, #tpu.memory_space<hbm>> -> memref<4096x2048xf32, #tpu.memory_space<hbm>>
    tpu.wait_indirect_dma semaphore(%arg12 : memref<!tpu.dma_semaphore, #tpu.memory_space<semaphore_mem>>) src(%dma_wait3A_331 : memref<4096x2048xf32, #tpu.memory_space<hbm>>) dst(%arg11 : memref<16x2048xf32, #tpu.memory_space<vmem>>)
    %dma_start3A_332 = arith.constant 7 : i32
    %dma_start3A_333 = arith.constant 0 : i32
    %dma_start3A_334 = tpu.memref_slice %arg8[%dma_start3A_332, %dma_start3A_333] : memref<8x16xi32, #tpu.memory_space<vmem>> -> memref<1x16xi32, #tpu.memory_space<vmem>>
    %dma_start3A_335 = tpu.memref_squeeze %dma_start3A_334 : memref<1x16xi32, #tpu.memory_space<vmem>> -> memref<16xi32, #tpu.memory_space<vmem>>
    %dma_start3A_336 = arith.constant 0 : i32
    %dma_start3A_337 = arith.constant 0 : i32
    %dma_start3A_338 = tpu.memref_slice %arg4[%dma_start3A_336, %dma_start3A_337] : memref<16384x2048xf32, #tpu.memory_space<hbm>> -> memref<16384x2048xf32, #tpu.memory_space<hbm>>
    tpu.enqueue_indirect_dma source(%arg11 : memref<16x2048xf32, #tpu.memory_space<vmem>>) target(%dma_start3A_338 : memref<16384x2048xf32, #tpu.memory_space<hbm>>) offsets(%dma_start3A_335 : memref<16xi32, #tpu.memory_space<vmem>>) semaphore(%arg13 : memref<!tpu.dma_semaphore, #tpu.memory_space<semaphore_mem>>)
    %dma_wait3A_339 = arith.constant 7 : i32
    %dma_wait3A_340 = arith.constant 0 : i32
    %dma_wait3A_341 = tpu.memref_slice %arg8[%dma_wait3A_339, %dma_wait3A_340] : memref<8x16xi32, #tpu.memory_space<vmem>> -> memref<1x16xi32, #tpu.memory_space<vmem>>
    %dma_wait3A_342 = tpu.memref_squeeze %dma_wait3A_341 : memref<1x16xi32, #tpu.memory_space<vmem>> -> memref<16xi32, #tpu.memory_space<vmem>>
    %dma_wait3A_343 = arith.constant 0 : i32
    %dma_wait3A_344 = arith.constant 0 : i32
    %dma_wait3A_345 = tpu.memref_slice %arg4[%dma_wait3A_343, %dma_wait3A_344] : memref<16384x2048xf32, #tpu.memory_space<hbm>> -> memref<16384x2048xf32, #tpu.memory_space<hbm>>
    tpu.wait_indirect_dma semaphore(%arg13 : memref<!tpu.dma_semaphore, #tpu.memory_space<semaphore_mem>>) src(%arg11 : memref<16x2048xf32, #tpu.memory_space<vmem>>) dst(%dma_wait3A_345 : memref<16384x2048xf32, #tpu.memory_space<hbm>>)
    return
  }
}

</mosaic_0001>

<sc_bundles>
// kernel: kernel.3.cloned.1.call-start
scs
__scs_entry_jumppad:
0x0: {  	(pc) =	sbr.rel $0x88, $3  }
0x1: {  	(tag) =	ssettag $0x0;
	lr =	simm.s32 $0x1  }
0x2: {  	[smem:$0x3F9E] =	sst lr;
	_ =	strace $0xD0000000  }
0x3: {  	_ = 	snop  }
0x4: {  	_ = 	snop  }
0x5: {  	_ = 	snop  }
0x6: {  	_ = 	snop  }
0x7: {  	_ = 	snop  }
__scs_overlays_trampoline_lowered:
0x8: {  	[smem:$0x3FAD] =	sst s0  }
0x9: {  	[smem:$0x3FAE] =	sst s1  }
0xa: {  	[smem:$0x3FAF] =	sst s2  }
0xb: {  	[smem:$0x3FB0] =	sst s3  }
0xc: {  	[smem:$0x3FB1] =	sst s4  }
0xd: {  	[smem:$0x3FB2] =	sst s5  }
0xe: {  	[smem:$0x3FB3] =	sst s6  }
0xf: {  	[smem:$0x3FB4] =	sst s7  }
0x10: {  	[smem:$0x3FB5] =	sst s8  }
0x11: {  	[smem:$0x3FB6] =	sst s9;
	s0 =	simm.s32 @!p0 $0x0  }
0x12: {  	s1 =	sld [smem:$0x3F9C];
	s0 =	simm.s32 @p0 $0x1  }
0x13: {  	[smem:$0x3FB7] =	sst s0;
	s0 =	simm.s32 @!p1 $0x0  }
0x14: {  	s2 =	sld [smem:$0x3F9B];
	s0 =	simm.s32 @p1 $0x1  }
0x15: {  	[smem:$0x3FB8] =	sst s0;
	s0 =	simm.s32 @!p2 $0x0  }
0x16: {  	s3 =	sld [smem:$0x3FDB];
	s0 =	simm.s32 @p2 $0x1  }
0x17: {  	s4 =	simm.s32 $0x1BF5;
	[smem:$0x3FBA] =	sst s0  }
0x18: {  	s0 =	sld [smem:$0x3F9D];
	_ =	swait.ge [sflag:s4], $0x0  }
0x19: {  	s7 =	sld [smem:$0x3F9E]  }
0x1a: {  	s8 =	sadd.s32 $0xFFFFE003, lr  }
0x1b: {  	s9 =	sadd.s32 $0xFFFFFEF7, lr;
	s5 =	simm.s32 $0xFFFFFFFF;
	p2 =	slt.u32 s8, $0xFFFFF086  }
0x1c: {  	p1 =	slt.u32 s9, $0xF7A;
	s5 =	simm.s32 @!p2 $0x0  }
0x1d: {  	s5 =	simm.s32 @p1 $0x1;
	p0 =	seq.s32 s7, s2  }
0x1e: {  	s7 =	smul.u32 @!p0 $0xF7A, s2;
	p2 =	seq.s32 @!p0 s5, $0x0  }
0x1f: {  	s9 =	smul.u32 $0xF7A, s1;
	s8 =	simm.s32 @!p0 $0x1BF5;
	p2 =	por !p2, p0  }
0x20: {  	[sflag:s8] =	ssyncset.s32 @!p0 $0xFFFFF086;
	s6 =	sadd.s32 @!p0 s3, s7;
	s7 =	simm.s32 @!p0 $0x108  }
0x21: {  	s3 =	sadd.s32 s3, s9;
	s6 =	sadd.s32 @!p0 $0x88, s6;
	s7 =	simm.s32 @p2 $0x1082  }
0x22: {  	[simem:s7], [sflag:s8] =	dma.local @!p0 [hbm:s6], $0xF7A  }
0x23: {  	s9 =	sor.u32 $0xD0000000, s2;
	s6 =	simm.s32 $0x108;
	_ =	swait.ge @!p0 [sflag:s8], $0x0  }
0x24: {  	s3 =	sadd.s32 $0x88, s3;
	s6 =	simm.s32 @!p1 $0x1082;
	[sflag:s4] =	ssyncset.s32 $0xFFFFF086  }
0x25: {  	[simem:s6], [sflag:s4] =	dma.local [hbm:s3], $0xF7A  }
0x26: {  	[smem:$0x3F9E] =	sst s1;
	(tag) =	ssettag s2;
	_ =	strace s9  }
0x27: {  	s1 =	sld [smem:$0x3FAE]  }
0x28: {  	s2 =	sld [smem:$0x3FAF]  }
0x29: {  	s4 =	sld [smem:$0x3FB1]  }
0x2a: {  	p0 =	seq.s32 s5, $0x0;
	s5 =	sld [smem:$0x3FB2]  }
0x2b: {  	s6 =	sld [smem:$0x3FB3]  }
0x2c: {  	s7 =	sld [smem:$0x3FB4]  }
0x2d: {  	s3 =	simm.s32 $0x108;
	s8 =	sld [smem:$0x3FB5]  }
0x2e: {  	s3 =	simm.s32 @!p0 $0x1082;
	s9 =	sld [smem:$0x3FB6]  }
0x2f: {  	lr =	sadd.s32 s0, s3;
	s0 =	sld [smem:$0x3FAD]  }
0x30: {  	s3 =	sld [smem:$0x3FB0]  }
0x31: {  	[smem:$0x3FB9] =	sst s10  }
0x32: {  	s10 =	sld [smem:$0x3FB7];
	_ =	sdelay $0x3  }
0x33: {  	p0 =	seq.s32 s10, $0x1;
	s10 =	sld [smem:$0x3FB9];
	_ =	sdelay $0x3  }
0x34: {  	[smem:$0x3FB9] =	sst s10  }
0x35: {  	s10 =	sld [smem:$0x3FB8];
	_ =	sdelay $0x3  }
0x36: {  	p1 =	seq.s32 s10, $0x1;
	s10 =	sld [smem:$0x3FB9];
	_ =	sdelay $0x3  }
0x37: {  	[smem:$0x3FB9] =	sst s10  }
0x38: {  	s10 =	sld [smem:$0x3FBA]  }
0x39: {  	_ = 	snop;
	(pc) =	sbr.ind lr, $3  }
0x3a: {  	_ = 	snop  }
0x3b: {  	_ = 	snop  }
0x3c: {  	p2 =	seq.s32 s10, $0x1;
	s10 =	sld [smem:$0x3FB9]  }
0x3d: {  	_ =	shalt  }
0x3e: {  	_ =	shalt  }
0x3f: {  	_ =	shalt  }
0x40: {  	_ =	shalt  }
0x41: {  	_ =	shalt  }
0x42: {  	_ =	shalt  }
0x43: {  	_ =	shalt  }
0x44: {  	_ =	shalt  }
0x45: {  	_ =	shalt  }
0x46: {  	_ =	shalt  }
0x47: {  	_ =	shalt  }
0x48: {  	_ =	shalt  }
0x49: {  	_ =	shalt  }
0x4a: {  	_ =	shalt  }
0x4b: {  	_ =	shalt  }
0x4c: {  	_ =	shalt  }
0x4d: {  	_ =	shalt  }
0x4e: {  	_ =	shalt  }
0x4f: {  	_ =	shalt  }
0x50: {  	_ =	shalt  }
0x51: {  	_ =	shalt  }
0x52: {  	_ =	shalt  }
0x53: {  	_ =	shalt  }
0x54: {  	_ =	shalt  }
0x55: {  	_ =	shalt  }
0x56: {  	_ =	shalt  }
0x57: {  	_ =	shalt  }
0x58: {  	_ =	shalt  }
0x59: {  	_ =	shalt  }
0x5a: {  	_ =	shalt  }
0x5b: {  	_ =	shalt  }
0x5c: {  	_ =	shalt  }
0x5d: {  	_ =	shalt  }
0x5e: {  	_ =	shalt  }
0x5f: {  	_ =	shalt  }
0x60: {  	_ =	shalt  }
0x61: {  	_ =	shalt  }
0x62: {  	_ =	shalt  }
0x63: {  	_ =	shalt  }
0x64: {  	_ =	shalt  }
0x65: {  	_ =	shalt  }
0x66: {  	_ =	shalt  }
0x67: {  	_ =	shalt  }
0x68: {  	_ =	shalt  }
0x69: {  	_ =	shalt  }
0x6a: {  	_ =	shalt  }
0x6b: {  	_ =	shalt  }
0x6c: {  	_ =	shalt  }
0x6d: {  	_ =	shalt  }
0x6e: {  	_ =	shalt  }
0x6f: {  	_ =	shalt  }
0x70: {  	_ =	shalt  }
0x71: {  	_ =	shalt  }
0x72: {  	_ =	shalt  }
0x73: {  	_ =	shalt  }
0x74: {  	_ =	shalt  }
0x75: {  	_ =	shalt  }
0x76: {  	_ =	shalt  }
0x77: {  	_ =	shalt  }
0x78: {  	_ =	shalt  }
0x79: {  	_ =	shalt  }
0x7a: {  	_ =	shalt  }
0x7b: {  	_ =	shalt  }
0x7c: {  	_ =	shalt  }
0x7d: {  	_ =	shalt  }
0x7e: {  	_ =	shalt  }
0x7f: {  	_ =	shalt  }
0x80: {  	_ =	shalt  }
0x81: {  	_ =	shalt  }
0x82: {  	_ =	shalt  }
0x83: {  	_ =	shalt  }
0x84: {  	_ =	shalt  }
0x85: {  	_ =	shalt  }
0x86: {  	_ =	shalt  }
0x87: {  	_ =	shalt  }
.Lfunc_end0:
.L_simem_size_0:
called_computation_lowered:
.L_overlay_start_0:
0x88: {  	s2 =	sld [smem:$0x3FD9]  }
0x89: {  	s3 =	sld [smem:$0x3FFE];
	_ =	sdelay $0x1  }
0x8a: {  	s1 =	srdreg.scid  }
0x8b: {  	s0 =	sand.u32 $0x1, s1  }
0x8c: {  	s18 =	sshll.u32 s0, $0xA;
	s2 =	sadd.s32 s3, s2  }
0x8d: {  	s2 =	sadd.s32 s2, s18  }
0x8e: {  	[smem:$0x3FC5] =	sst s2  }
0x8f: {  	_ = 	snop  }
0x90: {  	s2 =	sld [smem:$0x3FC9]  }
0x91: {  	s19 =	sld [smem:$0x3FC7]  }
0x92: {  	s4 =	sld [smem:$0x3FD0];
	(tm) =	ssettm $0x1  }
0x93: {  	s5 =	sld [smem:$0x3FFB];
	_ =	sdelay $0x3  }
0x94: {  	_ =	strace s5  }
0x95: {  	s5 =	sld [smem:$0x3FFC];
	_ =	sdelay $0x3  }
0x96: {  	_ =	strace s5  }
0x97: {  	s5 =	sld [smem:$0x3FFD];
	_ =	sdelay $0x3  }
0x98: {  	_ =	strace s5  }
0x99: {  	_ =	strace $0x8FFFFFFF  }
0x9a: {  	s20 =	sld [smem:$0x3FDB];
	_ =	sdelay $0x1  }
0x9b: {  	s6 =	simm.s32 $_scs_section_size  }
0x9c: {  	s7 =	simm.s32 $_size__tile_overlayer_lowered;
	s8 =	simm.s32 $_tile_overlayer_lowered  }
0x9d: {  	s23 =	simm.s32 $0x1BFF;
	s22 =	sshll.u32 s8, $0x1;
	s5 =	sadd.s32 s6, s20  }
0x9e: {  	s9 =	simm.s32 $0x0;
	s21 =	sshll.u32 s7, $0x1;
	s7 =	sadd.s32 s22, s5  }
0x9f: {  	[timem:s9], [sflag:s23] =	dma.local [hbm:s7], s21  }
0xa0: {  	_ =	swait.ge [sflag:s23], s21  }
0xa1: {  	s6 =	ssub.s32 $0x0, s21;
	[sflag:s23] =	ssyncset.done $0x0  }
0xa2: {  	[sflag:s23] =	ssyncadd.s32 s6;
	_ =	sdelay $0x1  }
0xa3: {  	s24 =	simm.s32 $0x1B8B  }
0xa4: {  	_ =	swait.ge [sflag:s24], $0x1  }
0xa5: {  	[sflag:s24] =	ssyncset.done $0x0  }
0xa6: {  	s25 =	simm.s32 $0x1B8E;
	[sflag:s24] =	ssyncadd.s32 $0xFFFFFFFF  }
0xa7: {  	s26 =	simm.s32 $execute0_lowered;
	[smem:$0x3FD2] =	sst s25  }
0xa8: {  	s6 =	sshll.u32 s26, $0x1;
	_ =	strace $0x80000046;
	[dreg:$0x1] =	wrdreg $0xFFFFFFFF  }
0xa9: {  	s28 =	simm.s32 $_size_execute0_lowered;
	s5 =	sadd.s32 s5, s6;
	[dreg:$0x0] =	wrdreg $0x0  }
0xaa: {  	s6 =	sshll.u32 s28, $0x1;
	[dreg:$0x2] =	wrdreg s5  }
0xab: {  	[dreg:$0x3] =	wrdreg s6  }
0xac: {  	[dreg:$0x4] =	wrdreg $0xC0  }
0xad: {  	_ =	task [dreg:s9], $0x5FFFF  }
0xae: {  	[dreg:$0x1] =	wrdreg $0xFFFFFFFF  }
0xaf: {  	[dreg:$0x0] =	wrdreg $0x60  }
0xb0: {  	[dreg:$0x2] =	wrdreg s2  }
0xb1: {  	[dreg:$0x3] =	wrdreg s19  }
0xb2: {  	[dreg:$0x4] =	wrdreg s4  }
0xb3: {  	[dreg:$0x5] =	wrdreg $0x9  }
0xb4: {  	_ =	task.clear_ibuf [dreg:s9], $0x6FFFF;
	_ =	strace $0x90000046  }
0xb5: {  	s29 =	simm.s32 $0x9;
	_ =	strace $0x80000048  }
0xb6: {  	_ =	swait.ge [sflag:s29], $0x1  }
0xb7: {  	[sflag:s29] =	ssyncadd.s32 $0xFFFFFFFF  }
0xb8: {  	_ =	strace $0x90000048  }
0xb9: {  	_ =	sfence  }
0xba: {  	s30 =	sld [smem:$0x0];
	_ =	sdelay $0x2  }
0xbb: {  	s31 =	sshll.u32 s1, $0xD;
	s1 =	sshrl.u32 s1, $0x2  }
0xbc: {  	s3 =	sand.u32 $0x4000, s31;
	s1 =	sadd.s32 s1, s30  }
0xbd: {  	s0 =	sor.u32 s3, s0;
	s1 =	sshll.u32 s1, $0x11  }
0xbe: {  	s0 =	sor.u32 s1, s0  }
0xbf: {  	s0 =	sadd.s32 $0x8F2B, s0  }
0xc0: {  	[sflag:s0] =	ssyncadd.remote.s32 $0x1  }
0xc1: {  	_ =	sfence.sel $0xFFFF  }
0xc2: {  	[dreg:$0x0] =	wrdreg $0xFFFFFFFF;
	(pc) =	sbr.abs _section_cstart, $3  }
0xc3: {  	[dreg:$0x1] =	wrdreg $0xFFFFFFFF  }
0xc4: {  	_ =	task.clear_ibuf [dreg:s9], $0x2FFFF;
	_ =	strace $0x9FFFFFFF  }
0xc5: {  	(tm) =	ssettm $0x7FFFFFFF  }
tec
execute0_lowered:
.L_overlay_start_1:
0x0: {  	(tag) =	ssettag $0x1  }
0x1: {  	s1 =	rddreg [dreg:$0x0]  }
0x2: {  	s3 =	rddreg [dreg:$0x2];
	s16 =	sadd.s32 $0x100, s1  }
0x3: {  	_ =	strace $0x80000047;
	s17 =	sadd.s32 $0x200, s1;
	[dreg:$0x7] =	wrdreg s16  }
0x4: {  	s18 =	sadd.s32 $0x300, s1;
	[dreg:$0x8] =	wrdreg s17  }
0x5: {  	s19 =	sadd.s32 $0x400, s1;
	[dreg:$0x9] =	wrdreg s18  }
0x6: {  	s20 =	sadd.s32 $0x500, s1;
	[dreg:$0xa] =	wrdreg s19  }
0x7: {  	s21 =	sadd.s32 $0x600, s1;
	[dreg:$0xb] =	wrdreg s20  }
0x8: {  	s22 =	sadd.s32 $0x700, s1;
	[dreg:$0xc] =	wrdreg s21  }
0x9: {  	s23 =	sadd.s32 $0x100, s3;
	[dreg:$0xd] =	wrdreg s22  }
0xa: {  	s24 =	sadd.s32 $0x200, s3;
	[dreg:$0xe] =	wrdreg s23  }
0xb: {  	s0 =	srdreg.scid;
	s25 =	sadd.s32 $0x300, s3;
	[dreg:$0xf] =	wrdreg s24  }
0xc: {  	s5 =	stileid.u32;
	s26 =	sadd.s32 $0x400, s3;
	[dreg:$0x10] =	wrdreg s25  }
0xd: {  	s0 =	sand.u32 $0x1, s0;
	s28 =	sadd.s32 $0x500, s3;
	[dreg:$0x11] =	wrdreg s26  }
0xe: {  	s15 =	sshll.u32 s5, $0x8;
	s29 =	sadd.s32 $0x600, s3;
	[dreg:$0x12] =	wrdreg s28  }
0xf: {  	s30 =	sadd.s32 $0x700, s3;
	s2 =	ssub.s32 $0x2, s0;
	[dreg:$0x13] =	wrdreg s29  }
0x10: {  	v0 =	vlaneseq.u32;
	s0 =	sshll.u32 s0, $0x7;
	[dreg:$0x14] =	wrdreg s30;
	s4 =	sshrl.u32 s2, $0x1  }
0x11: {  	v1 =	vmul.u32 $0xFFFFFFFF, v0;
	s21 =	simm.s32 $0x0;
	s0 =	sor.u32 s0, s15;
	s2 =	ssub.s32 s2, s4  }
0x12: {  	vm0 =	vmmov $0xffff;
	v3 =	vshrl.u32 v0, $0x3;
	v2 =	vand.u32 $0x7, v0;
	s23 =	simm.s32 $0x1000;
	[dreg:$0x5] =	wrdreg s0;
	s31 =	smax.u32 s2, $0x1  }
0x13: {  	v4 =	vor.u32 $0x8, v0;
	v3 =	vmul.u32 $0x8, v3;
	s20 =	simm.s32 $0x1;
	v1 =	vadd.s32 $0xF, v1;
	s0 =	simm.s32 $0x0;
	[dreg:$0x4] =	wrdreg s31  }
.LBB2_1:
0x14: {  	[dreg:$0x6] =	wrdreg s0  }
0x15: {  	s24 =	rddreg [dreg:$0x1];
	s31 =	simm.s32 $0x3  }
0x16: {  	[tilespmem:s21], [sflag:$0x3] =	stream.linear.gather [hbm4b:s24+s21], $0x1000, $0x38;
	[tilespmem:$0x15800] =	vst v63  }
0x17: {  	_ =	swait.ge [sflag:s31], $0x1000  }
0x18: {  	[sflag:s31] =	ssyncset.done $0x0  }
0x19: {  	s24 =	simm.s32 $0x10;
	[sflag:s31] =	ssyncadd.s32 $0xFFFFF000  }
0x1a: {  	v5 =	vld [tilespmem:s24+$0xFFFFFFF0];
	_ =	sdelay $0x4  }
0x1b: {  	v5 =	vshll.u32 v5, $0x4  }
0x1c: {  	v5 =	vor.u32 v0, v5  }
0x1d: {  	v6 =	vxor.u32 $0x80000000, v5  }
0x1e: {  	(xrf1) =	vsort.ascd.msk.u32 $0xffff, v6, v5;
	_ =	sdelay $0xd  }
0x1f: {  	v5, _, _ =	vpop (xrf1)  }
0x20: {  	v5 =	vxor.u32 $0x80000000, v5  }
0x21: {  	v6 =	vshra.s32 v5, $0x1F  }
0x22: {  	v6 =	vshrl.u32 v6, $0x1C  }
0x23: {  	v6 =	vadd.s32 v6, v5  }
0x24: {  	v6 =	vand.u32 $0xFFFFFFF0, v6  }
0x25: {  	s25 =	simm.s32 $0x0;
	v7 =	vshrl.u32 v5, $0x4;
	v5 =	vsub.s32 v5, v6  }
0x26: {  	v6 =	vshll.u32 v7, $0xD;
	v5 =	vadd.s32 s25, v5  }
0x27: {  	v5 =	vsub.s32 v5, v6  }
0x28: {  	v5 =	vperm.xlane v5, v1;
	_ =	sdelay $0x1  }
0x29: {  	v5 =	vxor.u32 $0x80000000, v5  }
0x2a: {  	(xrf0) =	vmax.scan.msk.u32 $0xffff, v5;
	_ =	sdelay $0x5  }
0x2b: {  	v5, _, _ =	vpop (xrf0)  }
0x2c: {  	v5 =	vxor.u32 $0x80000000, v5  }
0x2d: {  	v5 =	vperm.xlane v5, v1;
	_ =	sdelay $0x1  }
0x2e: {  	v5 =	vadd.s32 v5, v6  }
0x2f: {  	[tilespmem:v7+s23+$0x0] =	vst.idx.msk $0xffff, v5  }
0x30: {  	v5 =	vld [tilespmem:s24+$0x0];
	_ =	sdelay $0x4  }
0x31: {  	v5 =	vshll.u32 v5, $0x4  }
0x32: {  	v5 =	vor.u32 v0, v5  }
0x33: {  	v6 =	vxor.u32 $0x80000000, v5  }
0x34: {  	(xrf1) =	vsort.ascd.msk.u32 $0xffff, v6, v5;
	_ =	sdelay $0xd  }
0x35: {  	v5, _, _ =	vpop (xrf1)  }
0x36: {  	v6 =	vxor.u32 $0x80000000, v5  }
0x37: {  	v5 =	vshra.s32 v6, $0x1F  }
0x38: {  	v5 =	vshrl.u32 v5, $0x1C  }
0x39: {  	v5 =	vadd.s32 v5, v6  }
0x3a: {  	v7 =	vand.u32 $0xFFFFFFF0, v5  }
0x3b: {  	v5 =	vshrl.u32 v6, $0x4;
	v6 =	vsub.s32 v6, v7  }
0x3c: {  	v7 =	vshll.u32 v5, $0xD;
	v6 =	vadd.s32 s24, v6  }
0x3d: {  	v6 =	vsub.s32 v6, v7  }
0x3e: {  	v6 =	vperm.xlane v6, v1;
	_ =	sdelay $0x1  }
0x3f: {  	v6 =	vxor.u32 $0x80000000, v6  }
0x40: {  	(xrf0) =	vmax.scan.msk.u32 $0xffff, v6;
	_ =	sdelay $0x5  }
0x41: {  	v6, _, _ =	vpop (xrf0)  }
0x42: {  	v6 =	vxor.u32 $0x80000000, v6  }
0x43: {  	v6 =	vperm.xlane v6, v1;
	_ =	sdelay $0x1  }
0x44: {  	s26 =	simm.s32 $0x10;
	s25 =	simm.s32 $0x0;
	v6 =	vadd.s32 v6, v7  }
.LBB2_2:
0x45: {  	s25 =	sadd.s32 $0x2, s25;
	[tilespmem:v5+s23+$0x0] =	vst.idx.msk $0xffff, v6;
	s24 =	sadd.s32 $0x20, s24;
	s26 =	sadd.s32 $0x20, s26  }
0x46: {  	v5 =	vld [tilespmem:s24+$0xFFFFFFF0];
	p0 =	slt.u32 s25, $0xFE;
	_ =	sdelay $0x4  }
0x47: {  	v5 =	vshll.u32 v5, $0x4  }
0x48: {  	v5 =	vor.u32 v0, v5  }
0x49: {  	v6 =	vxor.u32 $0x80000000, v5  }
0x4a: {  	(xrf1) =	vsort.ascd.msk.u32 $0xffff, v6, v5;
	_ =	sdelay $0xd  }
0x4b: {  	v5, _, _ =	vpop (xrf1)  }
0x4c: {  	v5 =	vxor.u32 $0x80000000, v5  }
0x4d: {  	v6 =	vshra.s32 v5, $0x1F  }
0x4e: {  	v6 =	vshrl.u32 v6, $0x1C  }
0x4f: {  	v6 =	vadd.s32 v6, v5  }
0x50: {  	v6 =	vand.u32 $0xFFFFFFF0, v6  }
0x51: {  	s28 =	sadd.s32 $0xFFFFFFF0, s26;
	v7 =	vshrl.u32 v5, $0x4;
	v5 =	vsub.s32 v5, v6  }
0x52: {  	v6 =	vshll.u32 v7, $0xD;
	v5 =	vadd.s32 s28, v5  }
0x53: {  	v5 =	vsub.s32 v5, v6  }
0x54: {  	v5 =	vperm.xlane v5, v1;
	_ =	sdelay $0x1  }
0x55: {  	v5 =	vxor.u32 $0x80000000, v5  }
0x56: {  	(xrf0) =	vmax.scan.msk.u32 $0xffff, v5;
	_ =	sdelay $0x5  }
0x57: {  	v5, _, _ =	vpop (xrf0)  }
0x58: {  	v5 =	vxor.u32 $0x80000000, v5  }
0x59: {  	v5 =	vperm.xlane v5, v1;
	_ =	sdelay $0x1  }
0x5a: {  	v5 =	vadd.s32 v5, v6  }
0x5b: {  	[tilespmem:v7+s23+$0x0] =	vst.idx.msk $0xffff, v5  }
0x5c: {  	v5 =	vld [tilespmem:s24+$0x0];
	_ =	sdelay $0x4  }
0x5d: {  	v5 =	vshll.u32 v5, $0x4  }
0x5e: {  	v5 =	vor.u32 v0, v5  }
0x5f: {  	v6 =	vxor.u32 $0x80000000, v5  }
0x60: {  	(xrf1) =	vsort.ascd.msk.u32 $0xffff, v6, v5;
	_ =	sdelay $0xd  }
0x61: {  	v5, _, _ =	vpop (xrf1)  }
0x62: {  	v6 =	vxor.u32 $0x80000000, v5  }
0x63: {  	v5 =	vshra.s32 v6, $0x1F  }
0x64: {  	v5 =	vshrl.u32 v5, $0x1C  }
0x65: {  	v5 =	vadd.s32 v5, v6  }
0x66: {  	v7 =	vand.u32 $0xFFFFFFF0, v5  }
0x67: {  	v5 =	vshrl.u32 v6, $0x4;
	v6 =	vsub.s32 v6, v7  }
0x68: {  	v7 =	vshll.u32 v5, $0xD;
	v6 =	vadd.s32 s26, v6  }
0x69: {  	v6 =	vsub.s32 v6, v7  }
0x6a: {  	v6 =	vperm.xlane v6, v1;
	_ =	sdelay $0x1  }
0x6b: {  	v6 =	vxor.u32 $0x80000000, v6  }
0x6c: {  	(xrf0) =	vmax.scan.msk.u32 $0xffff, v6;
	_ =	sdelay $0x5  }
.Ltmp0:
0x6d: {  	v6, _, _ =	vpop (xrf0);
	(pc) =	sbr.rel @p0 .LBB2_2-.Ltmp0, $3  }
0x6e: {  	v6 =	vxor.u32 $0x80000000, v6  }
0x6f: {  	v6 =	vperm.xlane v6, v1;
	_ =	sdelay $0x1  }
0x70: {  	v6 =	vadd.s32 v6, v7  }
0x71: {  	_ =	sdelay $0x3  }
0x72: {  	[tilespmem:v5+s23+$0x0] =	vst.idx.msk $0xffff, v6;
	s0 =	rddreg [dreg:$0x5]  }
0x73: {  	v5 =	vld [tilespmem:s0+$0x0];
	_ =	sdelay $0x7  }
0x74: {  	v6 =	vld.idx.msk [tilespmem:v5+s23+$0x0], $0xffff;
	_ =	sdelay $0x3  }
0x75: {  	[tilespmem:$0x5000] =	vst v5  }
0x76: {  	[tilespmem:$0x5400] =	vst v6  }
0x77: {  	v5 =	vld [tilespmem:s0+$0x10];
	_ =	sdelay $0x7  }
0x78: {  	v6 =	vld.idx.msk [tilespmem:v5+s23+$0x0], $0xffff;
	_ =	sdelay $0x3  }
0x79: {  	[tilespmem:$0x5080] =	vst v5  }
0x7a: {  	[tilespmem:$0x5480] =	vst v6  }
0x7b: {  	v5 =	vld [tilespmem:s0+$0x20];
	_ =	sdelay $0x7  }
0x7c: {  	v6 =	vld.idx.msk [tilespmem:v5+s23+$0x0], $0xffff;
	_ =	sdelay $0x3  }
0x7d: {  	[tilespmem:$0x5100] =	vst v5  }
0x7e: {  	[tilespmem:$0x5500] =	vst v6  }
0x7f: {  	v5 =	vld [tilespmem:s0+$0x30];
	_ =	sdelay $0x7  }
0x80: {  	v6 =	vld.idx.msk [tilespmem:v5+s23+$0x0], $0xffff;
	_ =	sdelay $0x3  }
0x81: {  	[tilespmem:$0x5180] =	vst v5  }
0x82: {  	[tilespmem:$0x5580] =	vst v6  }
0x83: {  	v5 =	vld [tilespmem:s0+$0x40];
	_ =	sdelay $0x7  }
0x84: {  	v6 =	vld.idx.msk [tilespmem:v5+s23+$0x0], $0xffff;
	_ =	sdelay $0x3  }
0x85: {  	[tilespmem:$0x5200] =	vst v5  }
0x86: {  	[tilespmem:$0x5600] =	vst v6  }
0x87: {  	v5 =	vld [tilespmem:s0+$0x50];
	_ =	sdelay $0x7  }
0x88: {  	v6 =	vld.idx.msk [tilespmem:v5+s23+$0x0], $0xffff;
	_ =	sdelay $0x3  }
0x89: {  	[tilespmem:$0x5280] =	vst v5  }
0x8a: {  	[tilespmem:$0x5680] =	vst v6  }
0x8b: {  	v5 =	vld [tilespmem:s0+$0x60];
	_ =	sdelay $0x7  }
0x8c: {  	v6 =	vld.idx.msk [tilespmem:v5+s23+$0x0], $0xffff;
	_ =	sdelay $0x3  }
0x8d: {  	[tilespmem:$0x5300] =	vst v5  }
0x8e: {  	v5 =	vld [tilespmem:$0x5400];
	[tilespmem:$0x5700] =	vst v6  }
0x8f: {  	v6 =	vld [tilespmem:s0+$0x70];
	_ =	sdelay $0x3  }
0x90: {  	v7 =	vshll.u32 v5, $0x4  }
0x91: {  	v5 =	vand.u32 $0x7, v5;
	v7 =	vand.u32 $0xFFFFFF80, v7  }
0x92: {  	v5 =	vor.u32 v5, v7  }
0x93: {  	v7 =	vperm.xlane v5, v2  }
0x94: {  	v8 =	vld.idx.msk [tilespmem:v6+s23+$0x0], $0xffff  }
0x95: {  	v7 =	vadd.s32 v3, v7;
	_ =	sdelay $0x2  }
0x96: {  	[tilespmem:$0x5380] =	vst v6  }
0x97: {  	s17 =	simm.s32 $0x5800;
	s3 =	rddreg [dreg:$0x0];
	[tilespmem:$0x5780] =	vst v8  }
0x98: {  	[tilespmem:s17], [sflag:$0x1] =	stream.indirect_vreg.gather [hbm4b:s3+s21], $0x80, v7, vm0, $0xb8;
	[tilespmem:$0x15800] =	vst v63  }
0x99: {  	s18 =	simm.s32 $0x6000;
	s7 =	rddreg [dreg:$0x7]  }
0x9a: {  	[tilespmem:s18], [sflag:$0x1] =	stream.indirect_vreg.gather [hbm4b:s7+s21], $0x80, v7, vm0, $0xb8;
	[tilespmem:$0x15800] =	vst v63  }
0x9b: {  	s19 =	simm.s32 $0x6800;
	s8 =	rddreg [dreg:$0x8]  }
0x9c: {  	[tilespmem:s19], [sflag:$0x1] =	stream.indirect_vreg.gather [hbm4b:s8+s21], $0x80, v7, vm0, $0xb8;
	[tilespmem:$0x15800] =	vst v63  }
0x9d: {  	s22 =	simm.s32 $0x7000;
	s9 =	rddreg [dreg:$0x9]  }
0x9e: {  	[tilespmem:s22], [sflag:$0x1] =	stream.indirect_vreg.gather [hbm4b:s9+s21], $0x80, v7, vm0, $0xb8;
	[tilespmem:$0x15800] =	vst v63  }
0x9f: {  	s24 =	simm.s32 $0x7800;
	s10 =	rddreg [dreg:$0xa]  }
0xa0: {  	[tilespmem:s24], [sflag:$0x1] =	stream.indirect_vreg.gather [hbm4b:s10+s21], $0x80, v7, vm0, $0xb8;
	[tilespmem:$0x15800] =	vst v63  }
0xa1: {  	s25 =	simm.s32 $0x8000;
	s11 =	rddreg [dreg:$0xb];
	v5 =	vperm.xlane v5, v4  }
0xa2: {  	[tilespmem:s25], [sflag:$0x1] =	stream.indirect_vreg.gather [hbm4b:s11+s21], $0x80, v7, vm0, $0xb8;
	[tilespmem:$0x15800] =	vst v63  }
0xa3: {  	s26 =	simm.s32 $0x8800;
	s12 =	rddreg [dreg:$0xc];
	v5 =	vadd.s32 v3, v5  }
0xa4: {  	[tilespmem:s26], [sflag:$0x1] =	stream.indirect_vreg.gather [hbm4b:s12+s21], $0x80, v7, vm0, $0xb8;
	[tilespmem:$0x15800] =	vst v63  }
0xa5: {  	s28 =	simm.s32 $0x9000;
	s13 =	rddreg [dreg:$0xd]  }
0xa6: {  	[tilespmem:s28], [sflag:$0x1] =	stream.indirect_vreg.gather [hbm4b:s13+s21], $0x80, v7, vm0, $0xb8;
	[tilespmem:$0x15800] =	vst v63  }
0xa7: {  	s29 =	simm.s32 $0x9800  }
0xa8: {  	[tilespmem:s29], [sflag:$0x1] =	stream.indirect_vreg.gather [hbm4b:s3+s21], $0x80, v5, vm0, $0xb8;
	[tilespmem:$0x15800] =	vst v63  }
0xa9: {  	s5 =	simm.s32 $0xA000  }
0xaa: {  	[tilespmem:s5], [sflag:$0x1] =	stream.indirect_vreg.gather [hbm4b:s7+s21], $0x80, v5, vm0, $0xb8;
	[tilespmem:$0x15800] =	vst v63  }
0xab: {  	s14 =	simm.s32 $0xA800  }
0xac: {  	[tilespmem:s14], [sflag:$0x1] =	stream.indirect_vreg.gather [hbm4b:s8+s21], $0x80, v5, vm0, $0xb8;
	[tilespmem:$0x15800] =	vst v63  }
0xad: {  	s15 =	simm.s32 $0xB000  }
0xae: {  	[tilespmem:s15], [sflag:$0x1] =	stream.indirect_vreg.gather [hbm4b:s9+s21], $0x80, v5, vm0, $0xb8;
	[tilespmem:$0x15800] =	vst v63  }
0xaf: {  	s16 =	simm.s32 $0xB800  }
0xb0: {  	[tilespmem:s16], [sflag:$0x1] =	stream.indirect_vreg.gather [hbm4b:s10+s21], $0x80, v5, vm0, $0xb8;
	[tilespmem:$0x15800] =	vst v63  }
0xb1: {  	s17 =	simm.s32 $0xC000  }
0xb2: {  	[tilespmem:s17], [sflag:$0x1] =	stream.indirect_vreg.gather [hbm4b:s11+s21], $0x80, v5, vm0, $0xb8;
	[tilespmem:$0x15800] =	vst v63  }
0xb3: {  	s18 =	simm.s32 $0xC800  }
0xb4: {  	[tilespmem:s18], [sflag:$0x1] =	stream.indirect_vreg.gather [hbm4b:s12+s21], $0x80, v5, vm0, $0xb8;
	[tilespmem:$0x15800] =	vst v63  }
0xb5: {  	s19 =	simm.s32 $0xD000  }
0xb6: {  	[tilespmem:s19], [sflag:$0x1] =	stream.indirect_vreg.gather [hbm4b:s13+s21], $0x80, v5, vm0, $0xb8;
	[tilespmem:$0x15800] =	vst v63  }
0xb7: {  	_ =	swait.ge [sflag:s20], $0x8000  }
0xb8: {  	[sflag:s20] =	ssyncset.done $0x0  }
0xb9: {  	[sflag:s20] =	ssyncadd.s32 $0xFFFF8000  }
0xba: {  	v5 =	vld [tilespmem:$0x5000];
	_ =	sdelay $0x4  }
0xbb: {  	v6 =	vshll.u32 v5, $0x4  }
0xbc: {  	v5 =	vand.u32 $0x7, v5;
	v6 =	vand.u32 $0xFFFFFF80, v6  }
0xbd: {  	v5 =	vor.u32 v5, v6  }
0xbe: {  	v6 =	vperm.xlane v5, v2;
	_ =	sdelay $0x1  }
0xbf: {  	v6 =	vadd.s32 v3, v6;
	_ =	sdelay $0x3  }
0xc0: {  	s31 =	simm.s32 $0x5800;
	s5 =	rddreg [dreg:$0x2]  }
0xc1: {  	[hbm4b:s5+s21] =	stream.indirect_vreg.scatter [tilespmem:s31], [sflag:$0x2], $0x80, v6, vm0, $0xb8;
	[tilespmem:$0x15800] =	vst v63  }
0xc2: {  	s1 =	simm.s32 $0x6000;
	s14 =	rddreg [dreg:$0xe]  }
0xc3: {  	[hbm4b:s14+s21] =	stream.indirect_vreg.scatter [tilespmem:s1], [sflag:$0x2], $0x80, v6, vm0, $0xb8;
	[tilespmem:$0x15800] =	vst v63  }
0xc4: {  	s2 =	simm.s32 $0x6800;
	s15 =	rddreg [dreg:$0xf]  }
0xc5: {  	[hbm4b:s15+s21] =	stream.indirect_vreg.scatter [tilespmem:s2], [sflag:$0x2], $0x80, v6, vm0, $0xb8;
	[tilespmem:$0x15800] =	vst v63  }
0xc6: {  	s4 =	simm.s32 $0x7000;
	s16 =	rddreg [dreg:$0x10]  }
0xc7: {  	[hbm4b:s16+s21] =	stream.indirect_vreg.scatter [tilespmem:s4], [sflag:$0x2], $0x80, v6, vm0, $0xb8;
	[tilespmem:$0x15800] =	vst v63  }
0xc8: {  	s22 =	simm.s32 $0x7800;
	s17 =	rddreg [dreg:$0x11]  }
0xc9: {  	[hbm4b:s17+s21] =	stream.indirect_vreg.scatter [tilespmem:s22], [sflag:$0x2], $0x80, v6, vm0, $0xb8;
	[tilespmem:$0x15800] =	vst v63  }
0xca: {  	s30 =	simm.s32 $0x8000;
	s18 =	rddreg [dreg:$0x12];
	v5 =	vperm.xlane v5, v4  }
0xcb: {  	[hbm4b:s18+s21] =	stream.indirect_vreg.scatter [tilespmem:s30], [sflag:$0x2], $0x80, v6, vm0, $0xb8;
	[tilespmem:$0x15800] =	vst v63  }
0xcc: {  	s6 =	simm.s32 $0x8800;
	s19 =	rddreg [dreg:$0x13];
	v5 =	vadd.s32 v3, v5  }
0xcd: {  	[hbm4b:s19+s21] =	stream.indirect_vreg.scatter [tilespmem:s6], [sflag:$0x2], $0x80, v6, vm0, $0xb8;
	[tilespmem:$0x15800] =	vst v63  }
0xce: {  	s2 =	rddreg [dreg:$0x14];
	s30 =	simm.s32 $0x9000  }
0xcf: {  	[hbm4b:s2+s21] =	stream.indirect_vreg.scatter [tilespmem:s30], [sflag:$0x2], $0x80, v6, vm0, $0xb8;
	[tilespmem:$0x15800] =	vst v63  }
0xd0: {  	s31 =	simm.s32 $0x9800  }
0xd1: {  	[hbm4b:s5+s21] =	stream.indirect_vreg.scatter [tilespmem:s31], [sflag:$0x2], $0x80, v5, vm0, $0xb8;
	[tilespmem:$0x15800] =	vst v63  }
0xd2: {  	s4 =	simm.s32 $0xA000  }
0xd3: {  	[hbm4b:s14+s21] =	stream.indirect_vreg.scatter [tilespmem:s4], [sflag:$0x2], $0x80, v5, vm0, $0xb8;
	[tilespmem:$0x15800] =	vst v63  }
0xd4: {  	s24 =	simm.s32 $0xA800  }
0xd5: {  	[hbm4b:s15+s21] =	stream.indirect_vreg.scatter [tilespmem:s24], [sflag:$0x2], $0x80, v5, vm0, $0xb8;
	[tilespmem:$0x15800] =	vst v63  }
0xd6: {  	s25 =	simm.s32 $0xB000  }
0xd7: {  	[hbm4b:s16+s21] =	stream.indirect_vreg.scatter [tilespmem:s25], [sflag:$0x2], $0x80, v5, vm0, $0xb8;
	[tilespmem:$0x15800] =	vst v63  }
0xd8: {  	s26 =	simm.s32 $0xB800  }
0xd9: {  	[hbm4b:s17+s21] =	stream.indirect_vreg.scatter [tilespmem:s26], [sflag:$0x2], $0x80, v5, vm0, $0xb8;
	[tilespmem:$0x15800] =	vst v63  }
0xda: {  	s28 =	simm.s32 $0xC000  }
0xdb: {  	[hbm4b:s18+s21] =	stream.indirect_vreg.scatter [tilespmem:s28], [sflag:$0x2], $0x80, v5, vm0, $0xb8;
	[tilespmem:$0x15800] =	vst v63  }
0xdc: {  	s29 =	simm.s32 $0xC800  }
0xdd: {  	[hbm4b:s19+s21] =	stream.indirect_vreg.scatter [tilespmem:s29], [sflag:$0x2], $0x80, v5, vm0, $0xb8;
	[tilespmem:$0x15800] =	vst v63  }
0xde: {  	s0 =	simm.s32 $0xD000  }
0xdf: {  	[hbm4b:s2+s21] =	stream.indirect_vreg.scatter [tilespmem:s0], [sflag:$0x2], $0x80, v5, vm0, $0xb8;
	[tilespmem:$0x15800] =	vst v63  }
0xe0: {  	v5 =	vld [tilespmem:$0x5480];
	_ =	sdelay $0x4  }
0xe1: {  	v6 =	vshll.u32 v5, $0x4  }
0xe2: {  	v5 =	vand.u32 $0x7, v5;
	v6 =	vand.u32 $0xFFFFFF80, v6  }
0xe3: {  	v5 =	vor.u32 v5, v6  }
0xe4: {  	v6 =	vperm.xlane v5, v2;
	_ =	sdelay $0x1  }
0xe5: {  	v6 =	vadd.s32 v3, v6;
	_ =	sdelay $0x3  }
0xe6: {  	s6 =	simm.s32 $0xD800  }
0xe7: {  	[tilespmem:s6], [sflag:$0x1] =	stream.indirect_vreg.gather [hbm4b:s3+s21], $0x80, v6, vm0, $0xb8;
	[tilespmem:$0x15800] =	vst v63  }
0xe8: {  	s22 =	simm.s32 $0xE000  }
0xe9: {  	[tilespmem:s22], [sflag:$0x1] =	stream.indirect_vreg.gather [hbm4b:s7+s21], $0x80, v6, vm0, $0xb8;
	[tilespmem:$0x15800] =	vst v63  }
0xea: {  	s25 =	simm.s32 $0xE800  }
0xeb: {  	[tilespmem:s25], [sflag:$0x1] =	stream.indirect_vreg.gather [hbm4b:s8+s21], $0x80, v6, vm0, $0xb8;
	[tilespmem:$0x15800] =	vst v63  }
0xec: {  	s26 =	simm.s32 $0xF000  }
0xed: {  	[tilespmem:s26], [sflag:$0x1] =	stream.indirect_vreg.gather [hbm4b:s9+s21], $0x80, v6, vm0, $0xb8;
	[tilespmem:$0x15800] =	vst v63  }
0xee: {  	s28 =	simm.s32 $0xF800  }
0xef: {  	[tilespmem:s28], [sflag:$0x1] =	stream.indirect_vreg.gather [hbm4b:s10+s21], $0x80, v6, vm0, $0xb8;
	[tilespmem:$0x15800] =	vst v63  }
0xf0: {  	s30 =	simm.s32 $0x10000;
	v5 =	vperm.xlane v5, v4  }
0xf1: {  	[tilespmem:s30], [sflag:$0x1] =	stream.indirect_vreg.gather [hbm4b:s11+s21], $0x80, v6, vm0, $0xb8;
	[tilespmem:$0x15800] =	vst v63  }
0xf2: {  	s31 =	simm.s32 $0x10800;
	v5 =	vadd.s32 v3, v5  }
0xf3: {  	[tilespmem:s31], [sflag:$0x1] =	stream.indirect_vreg.gather [hbm4b:s12+s21], $0x80, v6, vm0, $0xb8;
	[tilespmem:$0x15800] =	vst v63  }
0xf4: {  	s1 =	simm.s32 $0x11000  }
0xf5: {  	[tilespmem:s1], [sflag:$0x1] =	stream.indirect_vreg.gather [hbm4b:s13+s21], $0x80, v6, vm0, $0xb8;
	[tilespmem:$0x15800] =	vst v63  }
0xf6: {  	s25 =	simm.s32 $0x11800  }
0xf7: {  	[tilespmem:s25], [sflag:$0x1] =	stream.indirect_vreg.gather [hbm4b:s3+s21], $0x80, v5, vm0, $0xb8;
	[tilespmem:$0x15800] =	vst v63  }
0xf8: {  	s26 =	simm.s32 $0x12000  }
0xf9: {  	[tilespmem:s26], [sflag:$0x1] =	stream.indirect_vreg.gather [hbm4b:s7+s21], $0x80, v5, vm0, $0xb8;
	[tilespmem:$0x15800] =	vst v63  }
0xfa: {  	s28 =	simm.s32 $0x12800  }
0xfb: {  	[tilespmem:s28], [sflag:$0x1] =	stream.indirect_vreg.gather [hbm4b:s8+s21], $0x80, v5, vm0, $0xb8;
	[tilespmem:$0x15800] =	vst v63  }
0xfc: {  	s1 =	simm.s32 $0x13000  }
0xfd: {  	[tilespmem:s1], [sflag:$0x1] =	stream.indirect_vreg.gather [hbm4b:s9+s21], $0x80, v5, vm0, $0xb8;
	[tilespmem:$0x15800] =	vst v63  }
0xfe: {  	s28 =	simm.s32 $0x13800  }
0xff: {  	[tilespmem:s28], [sflag:$0x1] =	stream.indirect_vreg.gather [hbm4b:s10+s21], $0x80, v5, vm0, $0xb8;
	[tilespmem:$0x15800] =	vst v63  }
0x100: {  	s1 =	simm.s32 $0x14000  }
0x101: {  	[tilespmem:s1], [sflag:$0x1] =	stream.indirect_vreg.gather [hbm4b:s11+s21], $0x80, v5, vm0, $0xb8;
	[tilespmem:$0x15800] =	vst v63  }
0x102: {  	s1 =	simm.s32 $0x14800  }
0x103: {  	[tilespmem:s1], [sflag:$0x1] =	stream.indirect_vreg.gather [hbm4b:s12+s21], $0x80, v5, vm0, $0xb8;
	[tilespmem:$0x15800] =	vst v63  }
0x104: {  	s1 =	simm.s32 $0x15000  }
0x105: {  	[tilespmem:s1], [sflag:$0x1] =	stream.indirect_vreg.gather [hbm4b:s13+s21], $0x80, v5, vm0, $0xb8;
	[tilespmem:$0x15800] =	vst v63  }
0x106: {  	s1 =	simm.s32 $0x2  }
0x107: {  	_ =	swait.ge [sflag:s1], $0x8000  }
0x108: {  	[sflag:s1] =	ssyncset.done $0x0  }
0x109: {  	[sflag:s1] =	ssyncadd.s32 $0xFFFF8000  }
0x10a: {  	_ =	swait.ge [sflag:s20], $0x8000  }
0x10b: {  	[sflag:s20] =	ssyncset.done $0x0  }
0x10c: {  	[sflag:s20] =	ssyncadd.s32 $0xFFFF8000  }
0x10d: {  	v5 =	vld [tilespmem:$0x5080];
	_ =	sdelay $0x4  }
0x10e: {  	v6 =	vshll.u32 v5, $0x4  }
0x10f: {  	v5 =	vand.u32 $0x7, v5;
	v6 =	vand.u32 $0xFFFFFF80, v6  }
0x110: {  	v5 =	vor.u32 v5, v6  }
0x111: {  	v6 =	vperm.xlane v5, v2;
	_ =	sdelay $0x1  }
0x112: {  	v6 =	vadd.s32 v3, v6;
	_ =	sdelay $0x3  }
0x113: {  	s24 =	simm.s32 $0xD800  }
0x114: {  	[hbm4b:s5+s21] =	stream.indirect_vreg.scatter [tilespmem:s24], [sflag:$0x2], $0x80, v6, vm0, $0xb8;
	[tilespmem:$0x15800] =	vst v63  }
0x115: {  	s24 =	simm.s32 $0xE000  }
0x116: {  	[hbm4b:s14+s21] =	stream.indirect_vreg.scatter [tilespmem:s24], [sflag:$0x2], $0x80, v6, vm0, $0xb8;
	[tilespmem:$0x15800] =	vst v63  }
0x117: {  	s24 =	simm.s32 $0xE800  }
0x118: {  	[hbm4b:s15+s21] =	stream.indirect_vreg.scatter [tilespmem:s24], [sflag:$0x2], $0x80, v6, vm0, $0xb8;
	[tilespmem:$0x15800] =	vst v63  }
0x119: {  	s29 =	simm.s32 $0xF000  }
0x11a: {  	[hbm4b:s16+s21] =	stream.indirect_vreg.scatter [tilespmem:s29], [sflag:$0x2], $0x80, v6, vm0, $0xb8;
	[tilespmem:$0x15800] =	vst v63  }
0x11b: {  	s6 =	simm.s32 $0xF800  }
0x11c: {  	[hbm4b:s17+s21] =	stream.indirect_vreg.scatter [tilespmem:s6], [sflag:$0x2], $0x80, v6, vm0, $0xb8;
	[tilespmem:$0x15800] =	vst v63  }
0x11d: {  	s4 =	simm.s32 $0x10000;
	v5 =	vperm.xlane v5, v4  }
0x11e: {  	[hbm4b:s18+s21] =	stream.indirect_vreg.scatter [tilespmem:s4], [sflag:$0x2], $0x80, v6, vm0, $0xb8;
	[tilespmem:$0x15800] =	vst v63  }
0x11f: {  	s22 =	simm.s32 $0x10800;
	v5 =	vadd.s32 v3, v5  }
0x120: {  	[hbm4b:s19+s21] =	stream.indirect_vreg.scatter [tilespmem:s22], [sflag:$0x2], $0x80, v6, vm0, $0xb8;
	[tilespmem:$0x15800] =	vst v63  }
0x121: {  	s31 =	simm.s32 $0x11000  }
0x122: {  	[hbm4b:s2+s21] =	stream.indirect_vreg.scatter [tilespmem:s31], [sflag:$0x2], $0x80, v6, vm0, $0xb8;
	[tilespmem:$0x15800] =	vst v63  }
0x123: {  	s30 =	simm.s32 $0x11800  }
0x124: {  	[hbm4b:s5+s21] =	stream.indirect_vreg.scatter [tilespmem:s30], [sflag:$0x2], $0x80, v5, vm0, $0xb8;
	[tilespmem:$0x15800] =	vst v63  }
0x125: {  	s26 =	simm.s32 $0x12000  }
0x126: {  	[hbm4b:s14+s21] =	stream.indirect_vreg.scatter [tilespmem:s26], [sflag:$0x2], $0x80, v5, vm0, $0xb8;
	[tilespmem:$0x15800] =	vst v63  }
0x127: {  	s25 =	simm.s32 $0x12800  }
0x128: {  	[hbm4b:s15+s21] =	stream.indirect_vreg.scatter [tilespmem:s25], [sflag:$0x2], $0x80, v5, vm0, $0xb8;
	[tilespmem:$0x15800] =	vst v63  }
0x129: {  	s22 =	simm.s32 $0x13000  }
0x12a: {  	[hbm4b:s16+s21] =	stream.indirect_vreg.scatter [tilespmem:s22], [sflag:$0x2], $0x80, v5, vm0, $0xb8;
	[tilespmem:$0x15800] =	vst v63  }
0x12b: {  	s28 =	simm.s32 $0x13800  }
0x12c: {  	[hbm4b:s17+s21] =	stream.indirect_vreg.scatter [tilespmem:s28], [sflag:$0x2], $0x80, v5, vm0, $0xb8;
	[tilespmem:$0x15800] =	vst v63  }
0x12d: {  	s24 =	simm.s32 $0x14000  }
0x12e: {  	[hbm4b:s18+s21] =	stream.indirect_vreg.scatter [tilespmem:s24], [sflag:$0x2], $0x80, v5, vm0, $0xb8;
	[tilespmem:$0x15800] =	vst v63  }
0x12f: {  	s0 =	simm.s32 $0x14800  }
0x130: {  	[hbm4b:s19+s21] =	stream.indirect_vreg.scatter [tilespmem:s0], [sflag:$0x2], $0x80, v5, vm0, $0xb8;
	[tilespmem:$0x15800] =	vst v63  }
0x131: {  	s25 =	simm.s32 $0x15000  }
0x132: {  	[hbm4b:s2+s21] =	stream.indirect_vreg.scatter [tilespmem:s25], [sflag:$0x2], $0x80, v5, vm0, $0xb8;
	[tilespmem:$0x15800] =	vst v63  }
0x133: {  	v5 =	vld [tilespmem:$0x5500];
	_ =	sdelay $0x4  }
0x134: {  	v6 =	vshll.u32 v5, $0x4  }
0x135: {  	v5 =	vand.u32 $0x7, v5;
	v6 =	vand.u32 $0xFFFFFF80, v6  }
0x136: {  	v5 =	vor.u32 v5, v6  }
0x137: {  	v6 =	vperm.xlane v5, v2;
	_ =	sdelay $0x1  }
0x138: {  	v6 =	vadd.s32 v3, v6;
	_ =	sdelay $0x3  }
0x139: {  	s26 =	simm.s32 $0x5800  }
0x13a: {  	[tilespmem:s26], [sflag:$0x1] =	stream.indirect_vreg.gather [hbm4b:s3+s21], $0x80, v6, vm0, $0xb8;
	[tilespmem:$0x15800] =	vst v63  }
0x13b: {  	s29 =	simm.s32 $0x6000  }
0x13c: {  	[tilespmem:s29], [sflag:$0x1] =	stream.indirect_vreg.gather [hbm4b:s7+s21], $0x80, v6, vm0, $0xb8;
	[tilespmem:$0x15800] =	vst v63  }
0x13d: {  	s4 =	simm.s32 $0x6800  }
0x13e: {  	[tilespmem:s4], [sflag:$0x1] =	stream.indirect_vreg.gather [hbm4b:s8+s21], $0x80, v6, vm0, $0xb8;
	[tilespmem:$0x15800] =	vst v63  }
0x13f: {  	s22 =	simm.s32 $0x7000  }
0x140: {  	[tilespmem:s22], [sflag:$0x1] =	stream.indirect_vreg.gather [hbm4b:s9+s21], $0x80, v6, vm0, $0xb8;
	[tilespmem:$0x15800] =	vst v63  }
0x141: {  	s24 =	simm.s32 $0x7800  }
0x142: {  	[tilespmem:s24], [sflag:$0x1] =	stream.indirect_vreg.gather [hbm4b:s10+s21], $0x80, v6, vm0, $0xb8;
	[tilespmem:$0x15800] =	vst v63  }
0x143: {  	s30 =	simm.s32 $0x8000;
	v5 =	vperm.xlane v5, v4  }
0x144: {  	[tilespmem:s30], [sflag:$0x1] =	stream.indirect_vreg.gather [hbm4b:s11+s21], $0x80, v6, vm0, $0xb8;
	[tilespmem:$0x15800] =	vst v63  }
0x145: {  	s31 =	simm.s32 $0x8800;
	v5 =	vadd.s32 v3, v5  }
0x146: {  	[tilespmem:s31], [sflag:$0x1] =	stream.indirect_vreg.gather [hbm4b:s12+s21], $0x80, v6, vm0, $0xb8;
	[tilespmem:$0x15800] =	vst v63  }
0x147: {  	s6 =	simm.s32 $0x9000  }
0x148: {  	[tilespmem:s6], [sflag:$0x1] =	stream.indirect_vreg.gather [hbm4b:s13+s21], $0x80, v6, vm0, $0xb8;
	[tilespmem:$0x15800] =	vst v63  }
0x149: {  	s28 =	smov.u32 s3;
	s25 =	simm.s32 $0x9800  }
0x14a: {  	[tilespmem:s25], [sflag:$0x1] =	stream.indirect_vreg.gather [hbm4b:s28+s21], $0x80, v5, vm0, $0xb8;
	[tilespmem:$0x15800] =	vst v63  }
0x14b: {  	s26 =	simm.s32 $0xA000  }
0x14c: {  	[tilespmem:s26], [sflag:$0x1] =	stream.indirect_vreg.gather [hbm4b:s7+s21], $0x80, v5, vm0, $0xb8;
	[tilespmem:$0x15800] =	vst v63  }
0x14d: {  	s28 =	simm.s32 $0xA800  }
0x14e: {  	[tilespmem:s28], [sflag:$0x1] =	stream.indirect_vreg.gather [hbm4b:s8+s21], $0x80, v5, vm0, $0xb8;
	[tilespmem:$0x15800] =	vst v63  }
0x14f: {  	s29 =	simm.s32 $0xB000  }
0x150: {  	[tilespmem:s29], [sflag:$0x1] =	stream.indirect_vreg.gather [hbm4b:s9+s21], $0x80, v5, vm0, $0xb8;
	[tilespmem:$0x15800] =	vst v63  }
0x151: {  	s30 =	simm.s32 $0xB800  }
0x152: {  	[tilespmem:s30], [sflag:$0x1] =	stream.indirect_vreg.gather [hbm4b:s10+s21], $0x80, v5, vm0, $0xb8;
	[tilespmem:$0x15800] =	vst v63  }
0x153: {  	s31 =	simm.s32 $0xC000  }
0x154: {  	[tilespmem:s31], [sflag:$0x1] =	stream.indirect_vreg.gather [hbm4b:s11+s21], $0x80, v5, vm0, $0xb8;
	[tilespmem:$0x15800] =	vst v63  }
0x155: {  	s5 =	simm.s32 $0xC800  }
0x156: {  	[tilespmem:s5], [sflag:$0x1] =	stream.indirect_vreg.gather [hbm4b:s12+s21], $0x80, v5, vm0, $0xb8;
	[tilespmem:$0x15800] =	vst v63  }
0x157: {  	s3 =	simm.s32 $0xD000  }
0x158: {  	[tilespmem:s3], [sflag:$0x1] =	stream.indirect_vreg.gather [hbm4b:s13+s21], $0x80, v5, vm0, $0xb8;
	[tilespmem:$0x15800] =	vst v63  }
0x159: {  	_ =	swait.ge [sflag:s1], $0x8000  }
0x15a: {  	[sflag:s1] =	ssyncset.done $0x0  }
0x15b: {  	[sflag:s1] =	ssyncadd.s32 $0xFFFF8000  }
0x15c: {  	_ =	swait.ge [sflag:s20], $0x8000  }
0x15d: {  	[sflag:s20] =	ssyncset.done $0x0  }
0x15e: {  	[sflag:s20] =	ssyncadd.s32 $0xFFFF8000  }
0x15f: {  	v5 =	vld [tilespmem:$0x5100];
	_ =	sdelay $0x4  }
0x160: {  	v6 =	vshll.u32 v5, $0x4  }
0x161: {  	v5 =	vand.u32 $0x7, v5;
	v6 =	vand.u32 $0xFFFFFF80, v6  }
0x162: {  	v5 =	vor.u32 v5, v6  }
0x163: {  	v6 =	vperm.xlane v5, v2;
	_ =	sdelay $0x1  }
0x164: {  	v6 =	vadd.s32 v3, v6;
	_ =	sdelay $0x3  }
0x165: {  	s3 =	simm.s32 $0x5800;
	s0 =	rddreg [dreg:$0x2]  }
0x166: {  	[hbm4b:s0+s21] =	stream.indirect_vreg.scatter [tilespmem:s3], [sflag:$0x2], $0x80, v6, vm0, $0xb8;
	[tilespmem:$0x15800] =	vst v63  }
0x167: {  	s3 =	simm.s32 $0x6000  }
0x168: {  	[hbm4b:s14+s21] =	stream.indirect_vreg.scatter [tilespmem:s3], [sflag:$0x2], $0x80, v6, vm0, $0xb8;
	[tilespmem:$0x15800] =	vst v63  }
0x169: {  	_ = 	snop  }
0x16a: {  	[hbm4b:s15+s21] =	stream.indirect_vreg.scatter [tilespmem:s4], [sflag:$0x2], $0x80, v6, vm0, $0xb8;
	[tilespmem:$0x15800] =	vst v63  }
0x16b: {  	_ = 	snop  }
0x16c: {  	[hbm4b:s16+s21] =	stream.indirect_vreg.scatter [tilespmem:s22], [sflag:$0x2], $0x80, v6, vm0, $0xb8;
	[tilespmem:$0x15800] =	vst v63  }
0x16d: {  	_ = 	snop  }
0x16e: {  	[hbm4b:s17+s21] =	stream.indirect_vreg.scatter [tilespmem:s24], [sflag:$0x2], $0x80, v6, vm0, $0xb8;
	[tilespmem:$0x15800] =	vst v63  }
0x16f: {  	v5 =	vperm.xlane v5, v4;
	s24 =	simm.s32 $0x8000  }
0x170: {  	[hbm4b:s18+s21] =	stream.indirect_vreg.scatter [tilespmem:s24], [sflag:$0x2], $0x80, v6, vm0, $0xb8;
	[tilespmem:$0x15800] =	vst v63  }
0x171: {  	v5 =	vadd.s32 v3, v5;
	s4 =	simm.s32 $0x8800  }
0x172: {  	[hbm4b:s19+s21] =	stream.indirect_vreg.scatter [tilespmem:s4], [sflag:$0x2], $0x80, v6, vm0, $0xb8;
	[tilespmem:$0x15800] =	vst v63  }
0x173: {  	_ = 	snop  }
0x174: {  	[hbm4b:s2+s21] =	stream.indirect_vreg.scatter [tilespmem:s6], [sflag:$0x2], $0x80, v6, vm0, $0xb8;
	[tilespmem:$0x15800] =	vst v63  }
0x175: {  	_ = 	snop  }
0x176: {  	[hbm4b:s0+s21] =	stream.indirect_vreg.scatter [tilespmem:s25], [sflag:$0x2], $0x80, v5, vm0, $0xb8;
	[tilespmem:$0x15800] =	vst v63  }
0x177: {  	_ = 	snop  }
0x178: {  	[hbm4b:s14+s21] =	stream.indirect_vreg.scatter [tilespmem:s26], [sflag:$0x2], $0x80, v5, vm0, $0xb8;
	[tilespmem:$0x15800] =	vst v63  }
0x179: {  	_ = 	snop  }
0x17a: {  	[hbm4b:s15+s21] =	stream.indirect_vreg.scatter [tilespmem:s28], [sflag:$0x2], $0x80, v5, vm0, $0xb8;
	[tilespmem:$0x15800] =	vst v63  }
0x17b: {  	_ = 	snop  }
0x17c: {  	[hbm4b:s16+s21] =	stream.indirect_vreg.scatter [tilespmem:s29], [sflag:$0x2], $0x80, v5, vm0, $0xb8;
	[tilespmem:$0x15800] =	vst v63  }
0x17d: {  	_ = 	snop  }
0x17e: {  	[hbm4b:s17+s21] =	stream.indirect_vreg.scatter [tilespmem:s30], [sflag:$0x2], $0x80, v5, vm0, $0xb8;
	[tilespmem:$0x15800] =	vst v63  }
0x17f: {  	_ = 	snop  }
0x180: {  	[hbm4b:s18+s21] =	stream.indirect_vreg.scatter [tilespmem:s31], [sflag:$0x2], $0x80, v5, vm0, $0xb8;
	[tilespmem:$0x15800] =	vst v63  }
0x181: {  	_ = 	snop  }
0x182: {  	[hbm4b:s19+s21] =	stream.indirect_vreg.scatter [tilespmem:s5], [sflag:$0x2], $0x80, v5, vm0, $0xb8;
	[tilespmem:$0x15800] =	vst v63  }
0x183: {  	s6 =	simm.s32 $0xD000  }
0x184: {  	[hbm4b:s2+s21] =	stream.indirect_vreg.scatter [tilespmem:s6], [sflag:$0x2], $0x80, v5, vm0, $0xb8;
	[tilespmem:$0x15800] =	vst v63  }
0x185: {  	v5 =	vld [tilespmem:$0x5580];
	_ =	sdelay $0x4  }
0x186: {  	v6 =	vshll.u32 v5, $0x4  }
0x187: {  	v5 =	vand.u32 $0x7, v5;
	v6 =	vand.u32 $0xFFFFFF80, v6  }
0x188: {  	v5 =	vor.u32 v5, v6  }
0x189: {  	v6 =	vperm.xlane v5, v2;
	_ =	sdelay $0x1  }
0x18a: {  	v6 =	vadd.s32 v3, v6;
	_ =	sdelay $0x3  }
0x18b: {  	s22 =	rddreg [dreg:$0x0];
	s25 =	simm.s32 $0xD800  }
0x18c: {  	[tilespmem:s25], [sflag:$0x1] =	stream.indirect_vreg.gather [hbm4b:s22+s21], $0x80, v6, vm0, $0xb8;
	[tilespmem:$0x15800] =	vst v63  }
0x18d: {  	s28 =	simm.s32 $0xE000  }
0x18e: {  	[tilespmem:s28], [sflag:$0x1] =	stream.indirect_vreg.gather [hbm4b:s7+s21], $0x80, v6, vm0, $0xb8;
	[tilespmem:$0x15800] =	vst v63  }
0x18f: {  	s26 =	simm.s32 $0xE800  }
0x190: {  	[tilespmem:s26], [sflag:$0x1] =	stream.indirect_vreg.gather [hbm4b:s8+s21], $0x80, v6, vm0, $0xb8;
	[tilespmem:$0x15800] =	vst v63  }
0x191: {  	s29 =	simm.s32 $0xF000  }
0x192: {  	[tilespmem:s29], [sflag:$0x1] =	stream.indirect_vreg.gather [hbm4b:s9+s21], $0x80, v6, vm0, $0xb8;
	[tilespmem:$0x15800] =	vst v63  }
0x193: {  	s24 =	simm.s32 $0xF800  }
0x194: {  	[tilespmem:s24], [sflag:$0x1] =	stream.indirect_vreg.gather [hbm4b:s10+s21], $0x80, v6, vm0, $0xb8;
	[tilespmem:$0x15800] =	vst v63  }
0x195: {  	s4 =	simm.s32 $0x10000;
	v5 =	vperm.xlane v5, v4  }
0x196: {  	[tilespmem:s4], [sflag:$0x1] =	stream.indirect_vreg.gather [hbm4b:s11+s21], $0x80, v6, vm0, $0xb8;
	[tilespmem:$0x15800] =	vst v63  }
0x197: {  	s30 =	simm.s32 $0x10800;
	v5 =	vadd.s32 v3, v5  }
0x198: {  	[tilespmem:s30], [sflag:$0x1] =	stream.indirect_vreg.gather [hbm4b:s12+s21], $0x80, v6, vm0, $0xb8;
	[tilespmem:$0x15800] =	vst v63  }
0x199: {  	s5 =	simm.s32 $0x11000  }
0x19a: {  	[tilespmem:s5], [sflag:$0x1] =	stream.indirect_vreg.gather [hbm4b:s13+s21], $0x80, v6, vm0, $0xb8;
	[tilespmem:$0x15800] =	vst v63  }
0x19b: {  	s31 =	simm.s32 $0x11800  }
0x19c: {  	[tilespmem:s31], [sflag:$0x1] =	stream.indirect_vreg.gather [hbm4b:s22+s21], $0x80, v5, vm0, $0xb8;
	[tilespmem:$0x15800] =	vst v63  }
0x19d: {  	s3 =	simm.s32 $0x12000  }
0x19e: {  	[tilespmem:s3], [sflag:$0x1] =	stream.indirect_vreg.gather [hbm4b:s7+s21], $0x80, v5, vm0, $0xb8;
	[tilespmem:$0x15800] =	vst v63  }
0x19f: {  	s22 =	simm.s32 $0x12800  }
0x1a0: {  	[tilespmem:s22], [sflag:$0x1] =	stream.indirect_vreg.gather [hbm4b:s8+s21], $0x80, v5, vm0, $0xb8;
	[tilespmem:$0x15800] =	vst v63  }
0x1a1: {  	s5 =	simm.s32 $0x13000  }
0x1a2: {  	[tilespmem:s5], [sflag:$0x1] =	stream.indirect_vreg.gather [hbm4b:s9+s21], $0x80, v5, vm0, $0xb8;
	[tilespmem:$0x15800] =	vst v63  }
0x1a3: {  	s4 =	simm.s32 $0x13800  }
0x1a4: {  	[tilespmem:s4], [sflag:$0x1] =	stream.indirect_vreg.gather [hbm4b:s10+s21], $0x80, v5, vm0, $0xb8;
	[tilespmem:$0x15800] =	vst v63  }
0x1a5: {  	s6 =	simm.s32 $0x14000  }
0x1a6: {  	[tilespmem:s6], [sflag:$0x1] =	stream.indirect_vreg.gather [hbm4b:s11+s21], $0x80, v5, vm0, $0xb8;
	[tilespmem:$0x15800] =	vst v63  }
0x1a7: {  	s6 =	simm.s32 $0x14800  }
0x1a8: {  	[tilespmem:s6], [sflag:$0x1] =	stream.indirect_vreg.gather [hbm4b:s12+s21], $0x80, v5, vm0, $0xb8;
	[tilespmem:$0x15800] =	vst v63  }
0x1a9: {  	s0 =	simm.s32 $0x15000  }
0x1aa: {  	[tilespmem:s0], [sflag:$0x1] =	stream.indirect_vreg.gather [hbm4b:s13+s21], $0x80, v5, vm0, $0xb8;
	[tilespmem:$0x15800] =	vst v63  }
0x1ab: {  	_ =	swait.ge [sflag:s1], $0x8000  }
0x1ac: {  	[sflag:s1] =	ssyncset.done $0x0  }
0x1ad: {  	[sflag:s1] =	ssyncadd.s32 $0xFFFF8000  }
0x1ae: {  	_ =	swait.ge [sflag:s20], $0x8000  }
0x1af: {  	[sflag:s20] =	ssyncset.done $0x0  }
0x1b0: {  	[sflag:s20] =	ssyncadd.s32 $0xFFFF8000  }
0x1b1: {  	v5 =	vld [tilespmem:$0x5180];
	_ =	sdelay $0x4  }
0x1b2: {  	v6 =	vshll.u32 v5, $0x4  }
0x1b3: {  	v5 =	vand.u32 $0x7, v5;
	v6 =	vand.u32 $0xFFFFFF80, v6  }
0x1b4: {  	v5 =	vor.u32 v5, v6  }
0x1b5: {  	v6 =	vperm.xlane v5, v2;
	_ =	sdelay $0x1  }
0x1b6: {  	v6 =	vadd.s32 v3, v6;
	_ =	sdelay $0x3  }
0x1b7: {  	s0 =	rddreg [dreg:$0x2]  }
0x1b8: {  	[hbm4b:s0+s21] =	stream.indirect_vreg.scatter [tilespmem:s25], [sflag:$0x2], $0x80, v6, vm0, $0xb8;
	[tilespmem:$0x15800] =	vst v63  }
0x1b9: {  	_ = 	snop  }
0x1ba: {  	[hbm4b:s14+s21] =	stream.indirect_vreg.scatter [tilespmem:s28], [sflag:$0x2], $0x80, v6, vm0, $0xb8;
	[tilespmem:$0x15800] =	vst v63  }
0x1bb: {  	_ = 	snop  }
0x1bc: {  	[hbm4b:s15+s21] =	stream.indirect_vreg.scatter [tilespmem:s26], [sflag:$0x2], $0x80, v6, vm0, $0xb8;
	[tilespmem:$0x15800] =	vst v63  }
0x1bd: {  	_ = 	snop  }
0x1be: {  	[hbm4b:s16+s21] =	stream.indirect_vreg.scatter [tilespmem:s29], [sflag:$0x2], $0x80, v6, vm0, $0xb8;
	[tilespmem:$0x15800] =	vst v63  }
0x1bf: {  	_ = 	snop  }
0x1c0: {  	[hbm4b:s17+s21] =	stream.indirect_vreg.scatter [tilespmem:s24], [sflag:$0x2], $0x80, v6, vm0, $0xb8;
	[tilespmem:$0x15800] =	vst v63  }
0x1c1: {  	v5 =	vperm.xlane v5, v4;
	s26 =	simm.s32 $0x10000  }
0x1c2: {  	[hbm4b:s18+s21] =	stream.indirect_vreg.scatter [tilespmem:s26], [sflag:$0x2], $0x80, v6, vm0, $0xb8;
	[tilespmem:$0x15800] =	vst v63  }
0x1c3: {  	v5 =	vadd.s32 v3, v5  }
0x1c4: {  	[hbm4b:s19+s21] =	stream.indirect_vreg.scatter [tilespmem:s30], [sflag:$0x2], $0x80, v6, vm0, $0xb8;
	[tilespmem:$0x15800] =	vst v63  }
0x1c5: {  	s28 =	simm.s32 $0x11000  }
0x1c6: {  	[hbm4b:s2+s21] =	stream.indirect_vreg.scatter [tilespmem:s28], [sflag:$0x2], $0x80, v6, vm0, $0xb8;
	[tilespmem:$0x15800] =	vst v63  }
0x1c7: {  	_ = 	snop  }
0x1c8: {  	[hbm4b:s0+s21] =	stream.indirect_vreg.scatter [tilespmem:s31], [sflag:$0x2], $0x80, v5, vm0, $0xb8;
	[tilespmem:$0x15800] =	vst v63  }
0x1c9: {  	_ = 	snop  }
0x1ca: {  	[hbm4b:s14+s21] =	stream.indirect_vreg.scatter [tilespmem:s3], [sflag:$0x2], $0x80, v5, vm0, $0xb8;
	[tilespmem:$0x15800] =	vst v63  }
0x1cb: {  	_ = 	snop  }
0x1cc: {  	[hbm4b:s15+s21] =	stream.indirect_vreg.scatter [tilespmem:s22], [sflag:$0x2], $0x80, v5, vm0, $0xb8;
	[tilespmem:$0x15800] =	vst v63  }
0x1cd: {  	_ = 	snop  }
0x1ce: {  	[hbm4b:s16+s21] =	stream.indirect_vreg.scatter [tilespmem:s5], [sflag:$0x2], $0x80, v5, vm0, $0xb8;
	[tilespmem:$0x15800] =	vst v63  }
0x1cf: {  	_ = 	snop  }
0x1d0: {  	[hbm4b:s17+s21] =	stream.indirect_vreg.scatter [tilespmem:s4], [sflag:$0x2], $0x80, v5, vm0, $0xb8;
	[tilespmem:$0x15800] =	vst v63  }
0x1d1: {  	s29 =	simm.s32 $0x14000  }
0x1d2: {  	[hbm4b:s18+s21] =	stream.indirect_vreg.scatter [tilespmem:s29], [sflag:$0x2], $0x80, v5, vm0, $0xb8;
	[tilespmem:$0x15800] =	vst v63  }
0x1d3: {  	_ = 	snop  }
0x1d4: {  	[hbm4b:s19+s21] =	stream.indirect_vreg.scatter [tilespmem:s6], [sflag:$0x2], $0x80, v5, vm0, $0xb8;
	[tilespmem:$0x15800] =	vst v63  }
0x1d5: {  	s30 =	simm.s32 $0x15000  }
0x1d6: {  	[hbm4b:s2+s21] =	stream.indirect_vreg.scatter [tilespmem:s30], [sflag:$0x2], $0x80, v5, vm0, $0xb8;
	[tilespmem:$0x15800] =	vst v63  }
0x1d7: {  	v5 =	vld [tilespmem:$0x5600];
	_ =	sdelay $0x4  }
0x1d8: {  	v6 =	vshll.u32 v5, $0x4  }
0x1d9: {  	v5 =	vand.u32 $0x7, v5;
	v6 =	vand.u32 $0xFFFFFF80, v6  }
0x1da: {  	v5 =	vor.u32 v5, v6  }
0x1db: {  	v6 =	vperm.xlane v5, v2;
	_ =	sdelay $0x1  }
0x1dc: {  	v6 =	vadd.s32 v3, v6;
	_ =	sdelay $0x3  }
0x1dd: {  	s31 =	rddreg [dreg:$0x0];
	s4 =	simm.s32 $0x5800  }
0x1de: {  	[tilespmem:s4], [sflag:$0x1] =	stream.indirect_vreg.gather [hbm4b:s31+s21], $0x80, v6, vm0, $0xb8;
	[tilespmem:$0x15800] =	vst v63  }
0x1df: {  	s5 =	simm.s32 $0x6000  }
0x1e0: {  	[tilespmem:s5], [sflag:$0x1] =	stream.indirect_vreg.gather [hbm4b:s7+s21], $0x80, v6, vm0, $0xb8;
	[tilespmem:$0x15800] =	vst v63  }
0x1e1: {  	s5 =	simm.s32 $0x6800  }
0x1e2: {  	[tilespmem:s5], [sflag:$0x1] =	stream.indirect_vreg.gather [hbm4b:s8+s21], $0x80, v6, vm0, $0xb8;
	[tilespmem:$0x15800] =	vst v63  }
0x1e3: {  	s22 =	simm.s32 $0x7000  }
0x1e4: {  	[tilespmem:s22], [sflag:$0x1] =	stream.indirect_vreg.gather [hbm4b:s9+s21], $0x80, v6, vm0, $0xb8;
	[tilespmem:$0x15800] =	vst v63  }
0x1e5: {  	s25 =	simm.s32 $0x7800  }
0x1e6: {  	[tilespmem:s25], [sflag:$0x1] =	stream.indirect_vreg.gather [hbm4b:s10+s21], $0x80, v6, vm0, $0xb8;
	[tilespmem:$0x15800] =	vst v63  }
0x1e7: {  	s6 =	simm.s32 $0x8000;
	v5 =	vperm.xlane v5, v4  }
0x1e8: {  	[tilespmem:s6], [sflag:$0x1] =	stream.indirect_vreg.gather [hbm4b:s11+s21], $0x80, v6, vm0, $0xb8;
	[tilespmem:$0x15800] =	vst v63  }
0x1e9: {  	s3 =	simm.s32 $0x8800;
	v5 =	vadd.s32 v3, v5  }
0x1ea: {  	[tilespmem:s3], [sflag:$0x1] =	stream.indirect_vreg.gather [hbm4b:s12+s21], $0x80, v6, vm0, $0xb8;
	[tilespmem:$0x15800] =	vst v63  }
0x1eb: {  	s24 =	simm.s32 $0x9000  }
0x1ec: {  	[tilespmem:s24], [sflag:$0x1] =	stream.indirect_vreg.gather [hbm4b:s13+s21], $0x80, v6, vm0, $0xb8;
	[tilespmem:$0x15800] =	vst v63  }
0x1ed: {  	s6 =	simm.s32 $0x9800  }
0x1ee: {  	[tilespmem:s6], [sflag:$0x1] =	stream.indirect_vreg.gather [hbm4b:s31+s21], $0x80, v5, vm0, $0xb8;
	[tilespmem:$0x15800] =	vst v63  }
0x1ef: {  	s0 =	simm.s32 $0xA000  }
0x1f0: {  	[tilespmem:s0], [sflag:$0x1] =	stream.indirect_vreg.gather [hbm4b:s7+s21], $0x80, v5, vm0, $0xb8;
	[tilespmem:$0x15800] =	vst v63  }
0x1f1: {  	s28 =	simm.s32 $0xA800  }
0x1f2: {  	[tilespmem:s28], [sflag:$0x1] =	stream.indirect_vreg.gather [hbm4b:s8+s21], $0x80, v5, vm0, $0xb8;
	[tilespmem:$0x15800] =	vst v63  }
0x1f3: {  	s29 =	simm.s32 $0xB000  }
0x1f4: {  	[tilespmem:s29], [sflag:$0x1] =	stream.indirect_vreg.gather [hbm4b:s9+s21], $0x80, v5, vm0, $0xb8;
	[tilespmem:$0x15800] =	vst v63  }
0x1f5: {  	s30 =	simm.s32 $0xB800  }
0x1f6: {  	[tilespmem:s30], [sflag:$0x1] =	stream.indirect_vreg.gather [hbm4b:s10+s21], $0x80, v5, vm0, $0xb8;
	[tilespmem:$0x15800] =	vst v63  }
0x1f7: {  	s31 =	simm.s32 $0xC000  }
0x1f8: {  	[tilespmem:s31], [sflag:$0x1] =	stream.indirect_vreg.gather [hbm4b:s11+s21], $0x80, v5, vm0, $0xb8;
	[tilespmem:$0x15800] =	vst v63  }
0x1f9: {  	s24 =	simm.s32 $0xC800  }
0x1fa: {  	[tilespmem:s24], [sflag:$0x1] =	stream.indirect_vreg.gather [hbm4b:s12+s21], $0x80, v5, vm0, $0xb8;
	[tilespmem:$0x15800] =	vst v63  }
0x1fb: {  	s26 =	simm.s32 $0xD000  }
0x1fc: {  	[tilespmem:s26], [sflag:$0x1] =	stream.indirect_vreg.gather [hbm4b:s13+s21], $0x80, v5, vm0, $0xb8;
	[tilespmem:$0x15800] =	vst v63  }
0x1fd: {  	_ =	swait.ge [sflag:s1], $0x8000  }
0x1fe: {  	[sflag:s1] =	ssyncset.done $0x0  }
0x1ff: {  	[sflag:s1] =	ssyncadd.s32 $0xFFFF8000  }
0x200: {  	_ =	swait.ge [sflag:s20], $0x8000  }
0x201: {  	[sflag:s20] =	ssyncset.done $0x0  }
0x202: {  	[sflag:s20] =	ssyncadd.s32 $0xFFFF8000  }
0x203: {  	v5 =	vld [tilespmem:$0x5200];
	_ =	sdelay $0x4  }
0x204: {  	v6 =	vshll.u32 v5, $0x4  }
0x205: {  	v5 =	vand.u32 $0x7, v5;
	v6 =	vand.u32 $0xFFFFFF80, v6  }
0x206: {  	v5 =	vor.u32 v5, v6  }
0x207: {  	v6 =	vperm.xlane v5, v2;
	_ =	sdelay $0x1  }
0x208: {  	v6 =	vadd.s32 v3, v6;
	_ =	sdelay $0x3  }
0x209: {  	s26 =	rddreg [dreg:$0x2]  }
0x20a: {  	[hbm4b:s26+s21] =	stream.indirect_vreg.scatter [tilespmem:s4], [sflag:$0x2], $0x80, v6, vm0, $0xb8;
	[tilespmem:$0x15800] =	vst v63  }
0x20b: {  	s4 =	simm.s32 $0x6000  }
0x20c: {  	[hbm4b:s14+s21] =	stream.indirect_vreg.scatter [tilespmem:s4], [sflag:$0x2], $0x80, v6, vm0, $0xb8;
	[tilespmem:$0x15800] =	vst v63  }
0x20d: {  	_ = 	snop  }
0x20e: {  	[hbm4b:s15+s21] =	stream.indirect_vreg.scatter [tilespmem:s5], [sflag:$0x2], $0x80, v6, vm0, $0xb8;
	[tilespmem:$0x15800] =	vst v63  }
0x20f: {  	_ = 	snop  }
0x210: {  	[hbm4b:s16+s21] =	stream.indirect_vreg.scatter [tilespmem:s22], [sflag:$0x2], $0x80, v6, vm0, $0xb8;
	[tilespmem:$0x15800] =	vst v63  }
0x211: {  	_ = 	snop  }
0x212: {  	[hbm4b:s17+s21] =	stream.indirect_vreg.scatter [tilespmem:s25], [sflag:$0x2], $0x80, v6, vm0, $0xb8;
	[tilespmem:$0x15800] =	vst v63  }
0x213: {  	v5 =	vperm.xlane v5, v4;
	s25 =	simm.s32 $0x8000  }
0x214: {  	[hbm4b:s18+s21] =	stream.indirect_vreg.scatter [tilespmem:s25], [sflag:$0x2], $0x80, v6, vm0, $0xb8;
	[tilespmem:$0x15800] =	vst v63  }
0x215: {  	v5 =	vadd.s32 v3, v5  }
0x216: {  	[hbm4b:s19+s21] =	stream.indirect_vreg.scatter [tilespmem:s3], [sflag:$0x2], $0x80, v6, vm0, $0xb8;
	[tilespmem:$0x15800] =	vst v63  }
0x217: {  	s5 =	simm.s32 $0x9000  }
0x218: {  	[hbm4b:s2+s21] =	stream.indirect_vreg.scatter [tilespmem:s5], [sflag:$0x2], $0x80, v6, vm0, $0xb8;
	[tilespmem:$0x15800] =	vst v63  }
0x219: {  	_ = 	snop  }
0x21a: {  	[hbm4b:s26+s21] =	stream.indirect_vreg.scatter [tilespmem:s6], [sflag:$0x2], $0x80, v5, vm0, $0xb8;
	[tilespmem:$0x15800] =	vst v63  }
0x21b: {  	_ = 	snop  }
0x21c: {  	[hbm4b:s14+s21] =	stream.indirect_vreg.scatter [tilespmem:s0], [sflag:$0x2], $0x80, v5, vm0, $0xb8;
	[tilespmem:$0x15800] =	vst v63  }
0x21d: {  	_ = 	snop  }
0x21e: {  	[hbm4b:s15+s21] =	stream.indirect_vreg.scatter [tilespmem:s28], [sflag:$0x2], $0x80, v5, vm0, $0xb8;
	[tilespmem:$0x15800] =	vst v63  }
0x21f: {  	_ = 	snop  }
0x220: {  	[hbm4b:s16+s21] =	stream.indirect_vreg.scatter [tilespmem:s29], [sflag:$0x2], $0x80, v5, vm0, $0xb8;
	[tilespmem:$0x15800] =	vst v63  }
0x221: {  	_ = 	snop  }
0x222: {  	[hbm4b:s17+s21] =	stream.indirect_vreg.scatter [tilespmem:s30], [sflag:$0x2], $0x80, v5, vm0, $0xb8;
	[tilespmem:$0x15800] =	vst v63  }
0x223: {  	_ = 	snop  }
0x224: {  	[hbm4b:s18+s21] =	stream.indirect_vreg.scatter [tilespmem:s31], [sflag:$0x2], $0x80, v5, vm0, $0xb8;
	[tilespmem:$0x15800] =	vst v63  }
0x225: {  	_ = 	snop  }
0x226: {  	[hbm4b:s19+s21] =	stream.indirect_vreg.scatter [tilespmem:s24], [sflag:$0x2], $0x80, v5, vm0, $0xb8;
	[tilespmem:$0x15800] =	vst v63  }
0x227: {  	s22 =	simm.s32 $0xD000  }
0x228: {  	[hbm4b:s2+s21] =	stream.indirect_vreg.scatter [tilespmem:s22], [sflag:$0x2], $0x80, v5, vm0, $0xb8;
	[tilespmem:$0x15800] =	vst v63  }
0x229: {  	v5 =	vld [tilespmem:$0x5680];
	_ =	sdelay $0x4  }
0x22a: {  	v6 =	vshll.u32 v5, $0x4  }
0x22b: {  	v5 =	vand.u32 $0x7, v5;
	v6 =	vand.u32 $0xFFFFFF80, v6  }
0x22c: {  	v5 =	vor.u32 v5, v6  }
0x22d: {  	v6 =	vperm.xlane v5, v2;
	_ =	sdelay $0x1  }
0x22e: {  	v6 =	vadd.s32 v3, v6;
	_ =	sdelay $0x3  }
0x22f: {  	s26 =	simm.s32 $0xD800;
	s24 =	rddreg [dreg:$0x0]  }
0x230: {  	[tilespmem:s26], [sflag:$0x1] =	stream.indirect_vreg.gather [hbm4b:s24+s21], $0x80, v6, vm0, $0xb8;
	[tilespmem:$0x15800] =	vst v63  }
0x231: {  	s29 =	simm.s32 $0xE000  }
0x232: {  	[tilespmem:s29], [sflag:$0x1] =	stream.indirect_vreg.gather [hbm4b:s7+s21], $0x80, v6, vm0, $0xb8;
	[tilespmem:$0x15800] =	vst v63  }
0x233: {  	s28 =	simm.s32 $0xE800  }
0x234: {  	[tilespmem:s28], [sflag:$0x1] =	stream.indirect_vreg.gather [hbm4b:s8+s21], $0x80, v6, vm0, $0xb8;
	[tilespmem:$0x15800] =	vst v63  }
0x235: {  	s30 =	simm.s32 $0xF000  }
0x236: {  	[tilespmem:s30], [sflag:$0x1] =	stream.indirect_vreg.gather [hbm4b:s9+s21], $0x80, v6, vm0, $0xb8;
	[tilespmem:$0x15800] =	vst v63  }
0x237: {  	s6 =	simm.s32 $0xF800  }
0x238: {  	[tilespmem:s6], [sflag:$0x1] =	stream.indirect_vreg.gather [hbm4b:s10+s21], $0x80, v6, vm0, $0xb8;
	[tilespmem:$0x15800] =	vst v63  }
0x239: {  	s22 =	simm.s32 $0x10000;
	v5 =	vperm.xlane v5, v4  }
0x23a: {  	[tilespmem:s22], [sflag:$0x1] =	stream.indirect_vreg.gather [hbm4b:s11+s21], $0x80, v6, vm0, $0xb8;
	[tilespmem:$0x15800] =	vst v63  }
0x23b: {  	s31 =	simm.s32 $0x10800;
	v5 =	vadd.s32 v3, v5  }
0x23c: {  	[tilespmem:s31], [sflag:$0x1] =	stream.indirect_vreg.gather [hbm4b:s12+s21], $0x80, v6, vm0, $0xb8;
	[tilespmem:$0x15800] =	vst v63  }
0x23d: {  	s3 =	simm.s32 $0x11000  }
0x23e: {  	[tilespmem:s3], [sflag:$0x1] =	stream.indirect_vreg.gather [hbm4b:s13+s21], $0x80, v6, vm0, $0xb8;
	[tilespmem:$0x15800] =	vst v63  }
0x23f: {  	s0 =	simm.s32 $0x11800  }
0x240: {  	[tilespmem:s0], [sflag:$0x1] =	stream.indirect_vreg.gather [hbm4b:s24+s21], $0x80, v5, vm0, $0xb8;
	[tilespmem:$0x15800] =	vst v63  }
0x241: {  	s5 =	simm.s32 $0x12000  }
0x242: {  	[tilespmem:s5], [sflag:$0x1] =	stream.indirect_vreg.gather [hbm4b:s7+s21], $0x80, v5, vm0, $0xb8;
	[tilespmem:$0x15800] =	vst v63  }
0x243: {  	s4 =	simm.s32 $0x12800  }
0x244: {  	[tilespmem:s4], [sflag:$0x1] =	stream.indirect_vreg.gather [hbm4b:s8+s21], $0x80, v5, vm0, $0xb8;
	[tilespmem:$0x15800] =	vst v63  }
0x245: {  	s25 =	simm.s32 $0x13000  }
0x246: {  	[tilespmem:s25], [sflag:$0x1] =	stream.indirect_vreg.gather [hbm4b:s9+s21], $0x80, v5, vm0, $0xb8;
	[tilespmem:$0x15800] =	vst v63  }
0x247: {  	s25 =	simm.s32 $0x13800  }
0x248: {  	[tilespmem:s25], [sflag:$0x1] =	stream.indirect_vreg.gather [hbm4b:s10+s21], $0x80, v5, vm0, $0xb8;
	[tilespmem:$0x15800] =	vst v63  }
0x249: {  	s24 =	simm.s32 $0x14000  }
0x24a: {  	[tilespmem:s24], [sflag:$0x1] =	stream.indirect_vreg.gather [hbm4b:s11+s21], $0x80, v5, vm0, $0xb8;
	[tilespmem:$0x15800] =	vst v63  }
0x24b: {  	s24 =	simm.s32 $0x14800  }
0x24c: {  	[tilespmem:s24], [sflag:$0x1] =	stream.indirect_vreg.gather [hbm4b:s12+s21], $0x80, v5, vm0, $0xb8;
	[tilespmem:$0x15800] =	vst v63  }
0x24d: {  	s24 =	simm.s32 $0x15000  }
0x24e: {  	[tilespmem:s24], [sflag:$0x1] =	stream.indirect_vreg.gather [hbm4b:s13+s21], $0x80, v5, vm0, $0xb8;
	[tilespmem:$0x15800] =	vst v63  }
0x24f: {  	_ =	swait.ge [sflag:s1], $0x8000  }
0x250: {  	[sflag:s1] =	ssyncset.done $0x0  }
0x251: {  	[sflag:s1] =	ssyncadd.s32 $0xFFFF8000  }
0x252: {  	_ =	swait.ge [sflag:s20], $0x8000  }
0x253: {  	[sflag:s20] =	ssyncset.done $0x0  }
0x254: {  	[sflag:s20] =	ssyncadd.s32 $0xFFFF8000  }
0x255: {  	v5 =	vld [tilespmem:$0x5280];
	_ =	sdelay $0x4  }
0x256: {  	v6 =	vshll.u32 v5, $0x4  }
0x257: {  	v5 =	vand.u32 $0x7, v5;
	v6 =	vand.u32 $0xFFFFFF80, v6  }
0x258: {  	v5 =	vor.u32 v5, v6  }
0x259: {  	v6 =	vperm.xlane v5, v2;
	_ =	sdelay $0x1  }
0x25a: {  	v6 =	vadd.s32 v3, v6;
	_ =	sdelay $0x3  }
0x25b: {  	s24 =	rddreg [dreg:$0x2]  }
0x25c: {  	[hbm4b:s24+s21] =	stream.indirect_vreg.scatter [tilespmem:s26], [sflag:$0x2], $0x80, v6, vm0, $0xb8;
	[tilespmem:$0x15800] =	vst v63  }
0x25d: {  	_ = 	snop  }
0x25e: {  	[hbm4b:s14+s21] =	stream.indirect_vreg.scatter [tilespmem:s29], [sflag:$0x2], $0x80, v6, vm0, $0xb8;
	[tilespmem:$0x15800] =	vst v63  }
0x25f: {  	_ = 	snop  }
0x260: {  	[hbm4b:s15+s21] =	stream.indirect_vreg.scatter [tilespmem:s28], [sflag:$0x2], $0x80, v6, vm0, $0xb8;
	[tilespmem:$0x15800] =	vst v63  }
0x261: {  	_ = 	snop  }
0x262: {  	[hbm4b:s16+s21] =	stream.indirect_vreg.scatter [tilespmem:s30], [sflag:$0x2], $0x80, v6, vm0, $0xb8;
	[tilespmem:$0x15800] =	vst v63  }
0x263: {  	_ = 	snop  }
0x264: {  	[hbm4b:s17+s21] =	stream.indirect_vreg.scatter [tilespmem:s6], [sflag:$0x2], $0x80, v6, vm0, $0xb8;
	[tilespmem:$0x15800] =	vst v63  }
0x265: {  	v5 =	vperm.xlane v5, v4  }
0x266: {  	[hbm4b:s18+s21] =	stream.indirect_vreg.scatter [tilespmem:s22], [sflag:$0x2], $0x80, v6, vm0, $0xb8;
	[tilespmem:$0x15800] =	vst v63  }
0x267: {  	v5 =	vadd.s32 v3, v5  }
0x268: {  	[hbm4b:s19+s21] =	stream.indirect_vreg.scatter [tilespmem:s31], [sflag:$0x2], $0x80, v6, vm0, $0xb8;
	[tilespmem:$0x15800] =	vst v63  }
0x269: {  	_ = 	snop  }
0x26a: {  	[hbm4b:s2+s21] =	stream.indirect_vreg.scatter [tilespmem:s3], [sflag:$0x2], $0x80, v6, vm0, $0xb8;
	[tilespmem:$0x15800] =	vst v63  }
0x26b: {  	_ = 	snop  }
0x26c: {  	[hbm4b:s24+s21] =	stream.indirect_vreg.scatter [tilespmem:s0], [sflag:$0x2], $0x80, v5, vm0, $0xb8;
	[tilespmem:$0x15800] =	vst v63  }
0x26d: {  	_ = 	snop  }
0x26e: {  	[hbm4b:s14+s21] =	stream.indirect_vreg.scatter [tilespmem:s5], [sflag:$0x2], $0x80, v5, vm0, $0xb8;
	[tilespmem:$0x15800] =	vst v63  }
0x26f: {  	_ = 	snop  }
0x270: {  	[hbm4b:s15+s21] =	stream.indirect_vreg.scatter [tilespmem:s4], [sflag:$0x2], $0x80, v5, vm0, $0xb8;
	[tilespmem:$0x15800] =	vst v63  }
0x271: {  	s26 =	simm.s32 $0x13000  }
0x272: {  	[hbm4b:s16+s21] =	stream.indirect_vreg.scatter [tilespmem:s26], [sflag:$0x2], $0x80, v5, vm0, $0xb8;
	[tilespmem:$0x15800] =	vst v63  }
0x273: {  	_ = 	snop  }
0x274: {  	[hbm4b:s17+s21] =	stream.indirect_vreg.scatter [tilespmem:s25], [sflag:$0x2], $0x80, v5, vm0, $0xb8;
	[tilespmem:$0x15800] =	vst v63  }
0x275: {  	s28 =	simm.s32 $0x14000  }
0x276: {  	[hbm4b:s18+s21] =	stream.indirect_vreg.scatter [tilespmem:s28], [sflag:$0x2], $0x80, v5, vm0, $0xb8;
	[tilespmem:$0x15800] =	vst v63  }
0x277: {  	s29 =	simm.s32 $0x14800  }
0x278: {  	[hbm4b:s19+s21] =	stream.indirect_vreg.scatter [tilespmem:s29], [sflag:$0x2], $0x80, v5, vm0, $0xb8;
	[tilespmem:$0x15800] =	vst v63  }
0x279: {  	s30 =	simm.s32 $0x15000  }
0x27a: {  	[hbm4b:s2+s21] =	stream.indirect_vreg.scatter [tilespmem:s30], [sflag:$0x2], $0x80, v5, vm0, $0xb8;
	[tilespmem:$0x15800] =	vst v63  }
0x27b: {  	v5 =	vld [tilespmem:$0x5700];
	_ =	sdelay $0x4  }
0x27c: {  	v6 =	vshll.u32 v5, $0x4  }
0x27d: {  	v5 =	vand.u32 $0x7, v5;
	v6 =	vand.u32 $0xFFFFFF80, v6  }
0x27e: {  	v5 =	vor.u32 v5, v6  }
0x27f: {  	v6 =	vperm.xlane v5, v2;
	_ =	sdelay $0x1  }
0x280: {  	v6 =	vadd.s32 v3, v6;
	_ =	sdelay $0x3  }
0x281: {  	s6 =	simm.s32 $0x5800;
	s31 =	rddreg [dreg:$0x0]  }
0x282: {  	[tilespmem:s6], [sflag:$0x1] =	stream.indirect_vreg.gather [hbm4b:s31+s21], $0x80, v6, vm0, $0xb8;
	[tilespmem:$0x15800] =	vst v63  }
0x283: {  	s3 =	simm.s32 $0x6000  }
0x284: {  	[tilespmem:s3], [sflag:$0x1] =	stream.indirect_vreg.gather [hbm4b:s7+s21], $0x80, v6, vm0, $0xb8;
	[tilespmem:$0x15800] =	vst v63  }
0x285: {  	s24 =	simm.s32 $0x6800  }
0x286: {  	[tilespmem:s24], [sflag:$0x1] =	stream.indirect_vreg.gather [hbm4b:s8+s21], $0x80, v6, vm0, $0xb8;
	[tilespmem:$0x15800] =	vst v63  }
0x287: {  	s26 =	simm.s32 $0x7000  }
0x288: {  	[tilespmem:s26], [sflag:$0x1] =	stream.indirect_vreg.gather [hbm4b:s9+s21], $0x80, v6, vm0, $0xb8;
	[tilespmem:$0x15800] =	vst v63  }
0x289: {  	s28 =	simm.s32 $0x7800  }
0x28a: {  	[tilespmem:s28], [sflag:$0x1] =	stream.indirect_vreg.gather [hbm4b:s10+s21], $0x80, v6, vm0, $0xb8;
	[tilespmem:$0x15800] =	vst v63  }
0x28b: {  	s5 =	simm.s32 $0x8000;
	v5 =	vperm.xlane v5, v4  }
0x28c: {  	[tilespmem:s5], [sflag:$0x1] =	stream.indirect_vreg.gather [hbm4b:s11+s21], $0x80, v6, vm0, $0xb8;
	[tilespmem:$0x15800] =	vst v63  }
0x28d: {  	s29 =	simm.s32 $0x8800;
	v5 =	vadd.s32 v3, v5  }
0x28e: {  	[tilespmem:s29], [sflag:$0x1] =	stream.indirect_vreg.gather [hbm4b:s12+s21], $0x80, v6, vm0, $0xb8;
	[tilespmem:$0x15800] =	vst v63  }
0x28f: {  	s4 =	simm.s32 $0x9000  }
0x290: {  	[tilespmem:s4], [sflag:$0x1] =	stream.indirect_vreg.gather [hbm4b:s13+s21], $0x80, v6, vm0, $0xb8;
	[tilespmem:$0x15800] =	vst v63  }
0x291: {  	s22 =	simm.s32 $0x9800  }
0x292: {  	[tilespmem:s22], [sflag:$0x1] =	stream.indirect_vreg.gather [hbm4b:s31+s21], $0x80, v5, vm0, $0xb8;
	[tilespmem:$0x15800] =	vst v63  }
0x293: {  	s0 =	simm.s32 $0xA000  }
0x294: {  	[tilespmem:s0], [sflag:$0x1] =	stream.indirect_vreg.gather [hbm4b:s7+s21], $0x80, v5, vm0, $0xb8;
	[tilespmem:$0x15800] =	vst v63  }
0x295: {  	s25 =	simm.s32 $0xA800  }
0x296: {  	[tilespmem:s25], [sflag:$0x1] =	stream.indirect_vreg.gather [hbm4b:s8+s21], $0x80, v5, vm0, $0xb8;
	[tilespmem:$0x15800] =	vst v63  }
0x297: {  	s31 =	simm.s32 $0xB000  }
0x298: {  	[tilespmem:s31], [sflag:$0x1] =	stream.indirect_vreg.gather [hbm4b:s9+s21], $0x80, v5, vm0, $0xb8;
	[tilespmem:$0x15800] =	vst v63  }
0x299: {  	s30 =	simm.s32 $0xB800  }
0x29a: {  	[tilespmem:s30], [sflag:$0x1] =	stream.indirect_vreg.gather [hbm4b:s10+s21], $0x80, v5, vm0, $0xb8;
	[tilespmem:$0x15800] =	vst v63  }
0x29b: {  	s30 =	simm.s32 $0xC000  }
0x29c: {  	[tilespmem:s30], [sflag:$0x1] =	stream.indirect_vreg.gather [hbm4b:s11+s21], $0x80, v5, vm0, $0xb8;
	[tilespmem:$0x15800] =	vst v63  }
0x29d: {  	s30 =	simm.s32 $0xC800  }
0x29e: {  	[tilespmem:s30], [sflag:$0x1] =	stream.indirect_vreg.gather [hbm4b:s12+s21], $0x80, v5, vm0, $0xb8;
	[tilespmem:$0x15800] =	vst v63  }
0x29f: {  	s30 =	simm.s32 $0xD000  }
0x2a0: {  	[tilespmem:s30], [sflag:$0x1] =	stream.indirect_vreg.gather [hbm4b:s13+s21], $0x80, v5, vm0, $0xb8;
	[tilespmem:$0x15800] =	vst v63  }
0x2a1: {  	_ =	swait.ge [sflag:s1], $0x8000  }
0x2a2: {  	[sflag:s1] =	ssyncset.done $0x0  }
0x2a3: {  	[sflag:s1] =	ssyncadd.s32 $0xFFFF8000  }
0x2a4: {  	_ =	swait.ge [sflag:s20], $0x8000  }
0x2a5: {  	[sflag:s20] =	ssyncset.done $0x0  }
0x2a6: {  	[sflag:s20] =	ssyncadd.s32 $0xFFFF8000  }
0x2a7: {  	v5 =	vld [tilespmem:$0x5300];
	_ =	sdelay $0x4  }
0x2a8: {  	v6 =	vshll.u32 v5, $0x4  }
0x2a9: {  	v5 =	vand.u32 $0x7, v5;
	v6 =	vand.u32 $0xFFFFFF80, v6  }
0x2aa: {  	v5 =	vor.u32 v5, v6  }
0x2ab: {  	v6 =	vperm.xlane v5, v2;
	_ =	sdelay $0x1  }
0x2ac: {  	v6 =	vadd.s32 v3, v6;
	_ =	sdelay $0x3  }
0x2ad: {  	s30 =	rddreg [dreg:$0x2]  }
0x2ae: {  	[hbm4b:s30+s21] =	stream.indirect_vreg.scatter [tilespmem:s6], [sflag:$0x2], $0x80, v6, vm0, $0xb8;
	[tilespmem:$0x15800] =	vst v63  }
0x2af: {  	_ = 	snop  }
0x2b0: {  	[hbm4b:s14+s21] =	stream.indirect_vreg.scatter [tilespmem:s3], [sflag:$0x2], $0x80, v6, vm0, $0xb8;
	[tilespmem:$0x15800] =	vst v63  }
0x2b1: {  	_ = 	snop  }
0x2b2: {  	[hbm4b:s15+s21] =	stream.indirect_vreg.scatter [tilespmem:s24], [sflag:$0x2], $0x80, v6, vm0, $0xb8;
	[tilespmem:$0x15800] =	vst v63  }
0x2b3: {  	_ = 	snop  }
0x2b4: {  	[hbm4b:s16+s21] =	stream.indirect_vreg.scatter [tilespmem:s26], [sflag:$0x2], $0x80, v6, vm0, $0xb8;
	[tilespmem:$0x15800] =	vst v63  }
0x2b5: {  	_ = 	snop  }
0x2b6: {  	[hbm4b:s17+s21] =	stream.indirect_vreg.scatter [tilespmem:s28], [sflag:$0x2], $0x80, v6, vm0, $0xb8;
	[tilespmem:$0x15800] =	vst v63  }
0x2b7: {  	v5 =	vperm.xlane v5, v4  }
0x2b8: {  	[hbm4b:s18+s21] =	stream.indirect_vreg.scatter [tilespmem:s5], [sflag:$0x2], $0x80, v6, vm0, $0xb8;
	[tilespmem:$0x15800] =	vst v63  }
0x2b9: {  	v5 =	vadd.s32 v3, v5  }
0x2ba: {  	[hbm4b:s19+s21] =	stream.indirect_vreg.scatter [tilespmem:s29], [sflag:$0x2], $0x80, v6, vm0, $0xb8;
	[tilespmem:$0x15800] =	vst v63  }
0x2bb: {  	_ = 	snop  }
0x2bc: {  	[hbm4b:s2+s21] =	stream.indirect_vreg.scatter [tilespmem:s4], [sflag:$0x2], $0x80, v6, vm0, $0xb8;
	[tilespmem:$0x15800] =	vst v63  }
0x2bd: {  	_ = 	snop  }
0x2be: {  	[hbm4b:s30+s21] =	stream.indirect_vreg.scatter [tilespmem:s22], [sflag:$0x2], $0x80, v5, vm0, $0xb8;
	[tilespmem:$0x15800] =	vst v63  }
0x2bf: {  	_ = 	snop  }
0x2c0: {  	[hbm4b:s14+s21] =	stream.indirect_vreg.scatter [tilespmem:s0], [sflag:$0x2], $0x80, v5, vm0, $0xb8;
	[tilespmem:$0x15800] =	vst v63  }
0x2c1: {  	_ = 	snop  }
0x2c2: {  	[hbm4b:s15+s21] =	stream.indirect_vreg.scatter [tilespmem:s25], [sflag:$0x2], $0x80, v5, vm0, $0xb8;
	[tilespmem:$0x15800] =	vst v63  }
0x2c3: {  	_ = 	snop  }
0x2c4: {  	[hbm4b:s16+s21] =	stream.indirect_vreg.scatter [tilespmem:s31], [sflag:$0x2], $0x80, v5, vm0, $0xb8;
	[tilespmem:$0x15800] =	vst v63  }
0x2c5: {  	s22 =	simm.s32 $0xB800  }
0x2c6: {  	[hbm4b:s17+s21] =	stream.indirect_vreg.scatter [tilespmem:s22], [sflag:$0x2], $0x80, v5, vm0, $0xb8;
	[tilespmem:$0x15800] =	vst v63  }
0x2c7: {  	s24 =	simm.s32 $0xC000  }
0x2c8: {  	[hbm4b:s18+s21] =	stream.indirect_vreg.scatter [tilespmem:s24], [sflag:$0x2], $0x80, v5, vm0, $0xb8;
	[tilespmem:$0x15800] =	vst v63  }
0x2c9: {  	s25 =	simm.s32 $0xC800  }
0x2ca: {  	[hbm4b:s19+s21] =	stream.indirect_vreg.scatter [tilespmem:s25], [sflag:$0x2], $0x80, v5, vm0, $0xb8;
	[tilespmem:$0x15800] =	vst v63  }
0x2cb: {  	s26 =	simm.s32 $0xD000  }
0x2cc: {  	[hbm4b:s2+s21] =	stream.indirect_vreg.scatter [tilespmem:s26], [sflag:$0x2], $0x80, v5, vm0, $0xb8;
	[tilespmem:$0x15800] =	vst v63  }
0x2cd: {  	v5 =	vld [tilespmem:$0x5780];
	_ =	sdelay $0x4  }
0x2ce: {  	v6 =	vshll.u32 v5, $0x4  }
0x2cf: {  	v5 =	vand.u32 $0x7, v5;
	v6 =	vand.u32 $0xFFFFFF80, v6  }
0x2d0: {  	v5 =	vor.u32 v5, v6  }
0x2d1: {  	v6 =	vperm.xlane v5, v2;
	_ =	sdelay $0x1  }
0x2d2: {  	v6 =	vadd.s32 v3, v6;
	_ =	sdelay $0x3  }
0x2d3: {  	s28 =	rddreg [dreg:$0x0];
	s0 =	simm.s32 $0xD800  }
0x2d4: {  	[tilespmem:s0], [sflag:$0x1] =	stream.indirect_vreg.gather [hbm4b:s28+s21], $0x80, v6, vm0, $0xb8;
	[tilespmem:$0x15800] =	vst v63  }
0x2d5: {  	s22 =	simm.s32 $0xE000  }
0x2d6: {  	[tilespmem:s22], [sflag:$0x1] =	stream.indirect_vreg.gather [hbm4b:s7+s21], $0x80, v6, vm0, $0xb8;
	[tilespmem:$0x15800] =	vst v63  }
0x2d7: {  	s3 =	simm.s32 $0xE800  }
0x2d8: {  	[tilespmem:s3], [sflag:$0x1] =	stream.indirect_vreg.gather [hbm4b:s8+s21], $0x80, v6, vm0, $0xb8;
	[tilespmem:$0x15800] =	vst v63  }
0x2d9: {  	s25 =	simm.s32 $0xF000  }
0x2da: {  	[tilespmem:s25], [sflag:$0x1] =	stream.indirect_vreg.gather [hbm4b:s9+s21], $0x80, v6, vm0, $0xb8;
	[tilespmem:$0x15800] =	vst v63  }
0x2db: {  	s26 =	simm.s32 $0xF800  }
0x2dc: {  	[tilespmem:s26], [sflag:$0x1] =	stream.indirect_vreg.gather [hbm4b:s10+s21], $0x80, v6, vm0, $0xb8;
	[tilespmem:$0x15800] =	vst v63  }
0x2dd: {  	s6 =	simm.s32 $0x10000;
	v5 =	vperm.xlane v5, v4  }
0x2de: {  	[tilespmem:s6], [sflag:$0x1] =	stream.indirect_vreg.gather [hbm4b:s11+s21], $0x80, v6, vm0, $0xb8;
	[tilespmem:$0x15800] =	vst v63  }
0x2df: {  	s24 =	simm.s32 $0x10800;
	v5 =	vadd.s32 v3, v5  }
0x2e0: {  	[tilespmem:s24], [sflag:$0x1] =	stream.indirect_vreg.gather [hbm4b:s12+s21], $0x80, v6, vm0, $0xb8;
	[tilespmem:$0x15800] =	vst v63  }
0x2e1: {  	s25 =	simm.s32 $0x11000  }
0x2e2: {  	[tilespmem:s25], [sflag:$0x1] =	stream.indirect_vreg.gather [hbm4b:s13+s21], $0x80, v6, vm0, $0xb8;
	[tilespmem:$0x15800] =	vst v63  }
0x2e3: {  	s4 =	simm.s32 $0x11800  }
0x2e4: {  	[tilespmem:s4], [sflag:$0x1] =	stream.indirect_vreg.gather [hbm4b:s28+s21], $0x80, v5, vm0, $0xb8;
	[tilespmem:$0x15800] =	vst v63  }
0x2e5: {  	s5 =	simm.s32 $0x12000  }
0x2e6: {  	[tilespmem:s5], [sflag:$0x1] =	stream.indirect_vreg.gather [hbm4b:s7+s21], $0x80, v5, vm0, $0xb8;
	[tilespmem:$0x15800] =	vst v63  }
0x2e7: {  	s6 =	simm.s32 $0x12800  }
0x2e8: {  	[tilespmem:s6], [sflag:$0x1] =	stream.indirect_vreg.gather [hbm4b:s8+s21], $0x80, v5, vm0, $0xb8;
	[tilespmem:$0x15800] =	vst v63  }
0x2e9: {  	s7 =	simm.s32 $0x13000  }
0x2ea: {  	[tilespmem:s7], [sflag:$0x1] =	stream.indirect_vreg.gather [hbm4b:s9+s21], $0x80, v5, vm0, $0xb8;
	[tilespmem:$0x15800] =	vst v63  }
0x2eb: {  	s8 =	simm.s32 $0x13800  }
0x2ec: {  	[tilespmem:s8], [sflag:$0x1] =	stream.indirect_vreg.gather [hbm4b:s10+s21], $0x80, v5, vm0, $0xb8;
	[tilespmem:$0x15800] =	vst v63  }
0x2ed: {  	s10 =	simm.s32 $0x14000  }
0x2ee: {  	[tilespmem:s10], [sflag:$0x1] =	stream.indirect_vreg.gather [hbm4b:s11+s21], $0x80, v5, vm0, $0xb8;
	[tilespmem:$0x15800] =	vst v63  }
0x2ef: {  	s11 =	simm.s32 $0x14800  }
0x2f0: {  	[tilespmem:s11], [sflag:$0x1] =	stream.indirect_vreg.gather [hbm4b:s12+s21], $0x80, v5, vm0, $0xb8;
	[tilespmem:$0x15800] =	vst v63  }
0x2f1: {  	s12 =	simm.s32 $0x15000  }
0x2f2: {  	[tilespmem:s12], [sflag:$0x1] =	stream.indirect_vreg.gather [hbm4b:s13+s21], $0x80, v5, vm0, $0xb8;
	[tilespmem:$0x15800] =	vst v63  }
0x2f3: {  	_ =	swait.ge [sflag:s1], $0x8000  }
0x2f4: {  	[sflag:s1] =	ssyncset.done $0x0  }
0x2f5: {  	[sflag:s1] =	ssyncadd.s32 $0xFFFF8000  }
0x2f6: {  	_ =	swait.ge [sflag:s20], $0x8000  }
0x2f7: {  	[sflag:s20] =	ssyncset.done $0x0  }
0x2f8: {  	[sflag:s20] =	ssyncadd.s32 $0xFFFF8000  }
0x2f9: {  	v5 =	vld [tilespmem:$0x5380];
	_ =	sdelay $0x4  }
0x2fa: {  	v6 =	vshll.u32 v5, $0x4  }
0x2fb: {  	v5 =	vand.u32 $0x7, v5;
	v6 =	vand.u32 $0xFFFFFF80, v6  }
0x2fc: {  	v5 =	vor.u32 v5, v6  }
0x2fd: {  	v6 =	vperm.xlane v5, v2;
	_ =	sdelay $0x1  }
0x2fe: {  	v6 =	vadd.s32 v3, v6;
	_ =	sdelay $0x3  }
0x2ff: {  	s13 =	rddreg [dreg:$0x2]  }
0x300: {  	[hbm4b:s13+s21] =	stream.indirect_vreg.scatter [tilespmem:s0], [sflag:$0x2], $0x80, v6, vm0, $0xb8;
	[tilespmem:$0x15800] =	vst v63  }
0x301: {  	_ = 	snop  }
0x302: {  	[hbm4b:s14+s21] =	stream.indirect_vreg.scatter [tilespmem:s22], [sflag:$0x2], $0x80, v6, vm0, $0xb8;
	[tilespmem:$0x15800] =	vst v63  }
0x303: {  	_ = 	snop  }
0x304: {  	[hbm4b:s15+s21] =	stream.indirect_vreg.scatter [tilespmem:s3], [sflag:$0x2], $0x80, v6, vm0, $0xb8;
	[tilespmem:$0x15800] =	vst v63  }
0x305: {  	s31 =	simm.s32 $0xF000  }
0x306: {  	[hbm4b:s16+s21] =	stream.indirect_vreg.scatter [tilespmem:s31], [sflag:$0x2], $0x80, v6, vm0, $0xb8;
	[tilespmem:$0x15800] =	vst v63  }
0x307: {  	_ = 	snop  }
0x308: {  	[hbm4b:s17+s21] =	stream.indirect_vreg.scatter [tilespmem:s26], [sflag:$0x2], $0x80, v6, vm0, $0xb8;
	[tilespmem:$0x15800] =	vst v63  }
0x309: {  	s29 =	simm.s32 $0x10000;
	v5 =	vperm.xlane v5, v4  }
0x30a: {  	[hbm4b:s18+s21] =	stream.indirect_vreg.scatter [tilespmem:s29], [sflag:$0x2], $0x80, v6, vm0, $0xb8;
	[tilespmem:$0x15800] =	vst v63  }
0x30b: {  	v5 =	vadd.s32 v3, v5  }
0x30c: {  	[hbm4b:s19+s21] =	stream.indirect_vreg.scatter [tilespmem:s24], [sflag:$0x2], $0x80, v6, vm0, $0xb8;
	[tilespmem:$0x15800] =	vst v63  }
0x30d: {  	_ = 	snop  }
0x30e: {  	[hbm4b:s2+s21] =	stream.indirect_vreg.scatter [tilespmem:s25], [sflag:$0x2], $0x80, v6, vm0, $0xb8;
	[tilespmem:$0x15800] =	vst v63  }
0x30f: {  	_ = 	snop  }
0x310: {  	[hbm4b:s13+s21] =	stream.indirect_vreg.scatter [tilespmem:s4], [sflag:$0x2], $0x80, v5, vm0, $0xb8;
	[tilespmem:$0x15800] =	vst v63  }
0x311: {  	_ = 	snop  }
0x312: {  	[hbm4b:s14+s21] =	stream.indirect_vreg.scatter [tilespmem:s5], [sflag:$0x2], $0x80, v5, vm0, $0xb8;
	[tilespmem:$0x15800] =	vst v63  }
0x313: {  	_ = 	snop  }
0x314: {  	[hbm4b:s15+s21] =	stream.indirect_vreg.scatter [tilespmem:s6], [sflag:$0x2], $0x80, v5, vm0, $0xb8;
	[tilespmem:$0x15800] =	vst v63  }
0x315: {  	_ = 	snop  }
0x316: {  	[hbm4b:s16+s21] =	stream.indirect_vreg.scatter [tilespmem:s7], [sflag:$0x2], $0x80, v5, vm0, $0xb8;
	[tilespmem:$0x15800] =	vst v63  }
0x317: {  	_ = 	snop  }
0x318: {  	[hbm4b:s17+s21] =	stream.indirect_vreg.scatter [tilespmem:s8], [sflag:$0x2], $0x80, v5, vm0, $0xb8;
	[tilespmem:$0x15800] =	vst v63  }
0x319: {  	_ = 	snop  }
0x31a: {  	[hbm4b:s18+s21] =	stream.indirect_vreg.scatter [tilespmem:s10], [sflag:$0x2], $0x80, v5, vm0, $0xb8;
	[tilespmem:$0x15800] =	vst v63  }
0x31b: {  	_ = 	snop  }
0x31c: {  	[hbm4b:s19+s21] =	stream.indirect_vreg.scatter [tilespmem:s11], [sflag:$0x2], $0x80, v5, vm0, $0xb8;
	[tilespmem:$0x15800] =	vst v63  }
0x31d: {  	_ = 	snop  }
0x31e: {  	[hbm4b:s2+s21] =	stream.indirect_vreg.scatter [tilespmem:s12], [sflag:$0x2], $0x80, v5, vm0, $0xb8;
	[tilespmem:$0x15800] =	vst v63  }
0x31f: {  	_ =	swait.ge [sflag:s1], $0x8000  }
0x320: {  	s30 =	rddreg [dreg:$0x6]  }
0x321: {  	s31 =	rddreg [dreg:$0x4];
	s0 =	sadd.s32 $0x1, s30  }
0x322: {  	p0 =	sne.s32 s0, s31  }
.Ltmp1:
0x323: {  	_ = 	snop;
	(pc) =	sbr.rel @p0 .LBB2_1-.Ltmp1, $3  }
0x324: {  	_ =	sdelay $0x1  }
0x325: {  	[sflag:s1] =	ssyncset.done $0x0  }
0x326: {  	[sflag:s1] =	ssyncadd.s32 $0xFFFF8000  }
0x327: {  	_ =	sfence.sel $0x180000  }
0x328: {  	[bflag:$0x0] =	sbarrier.arrive $0xFFFF  }
0x329: {  	_ =	strace $0x90000047  }
0x32a: {  	s0 =	stileid.u32;
	[bflag:$0x2] =	sbarrier.arrive $0xFFFF  }
0x32b: {  	p0 =	sne.s32 s0, $0x0;
	s0 =	rddreg [dreg:$0x3]  }
0x32c: {  	s0 =	sadd.s32 @!p0 $0x100000, s0  }
0x32d: {  	[sflag:s0] =	ssyncadd.tile.s32 @!p0 $0x1;
	_ =	shalt  }
.Lfunc_end2:
_tile_overlayer_lowered:
.L_overlay_start_2:
0x32e: {  	(tag) =	ssettag $0x2  }
0x32f: {  	s0 =	rddreg [dreg:$0x0];
	s2 =	stileid.u32  }
0x330: {  	s1 =	rddreg [dreg:$0x1];
	p0 =	sne.s32 s2, $0x0  }
0x331: {  	s3 =	rddreg [dreg:$0x2];
	[bflag:$0x3] =	sbarrier.arrive $0xFFFF;
	s2 =	simm.s32 @!p0 $0x1C03  }
0x332: {  	[timem:s3], [sflag:s2] =	dma.local @!p0 [hbm:s0], s1  }
0x333: {  	s0 =	simm.s32 @!p0 $0x3  }
0x334: {  	_ =	swait.ge @!p0 [sflag:s0], s1  }
0x335: {  	s1 =	ssub.s32 @!p0 $0x0, s1;
	[sflag:s0] =	ssyncset.done @!p0 $0x0  }
0x336: {  	[sflag:s0] =	ssyncadd.s32 @!p0 s1  }
0x337: {  	[bflag:$0x3] =	sbarrier.arrive $0xFFFF  }
0x338: {  	_ =	shalt  }

</sc_bundles>
